<compile_context>
chip_gen: v7x
topology: tpu7x:2x2x1
jax: 0.10.2.dev20260603
libtpu: 0.0.44.dev20260713+nightly
codegen_flags: <defaults>
</compile_context>

<pallas_src>
import functools

import jax
import jax.numpy as jnp
from jax import lax
from jax.experimental import pallas as pl
from jax.experimental.pallas import tpu as pltpu
from jax.experimental.pallas import tpu_sc as plsc

N = 10000
E = 320000
H = 128
T = 6

NC = 2
NS = 16
NW = NC * NS
EPW = E // NW
CHUNK = 80
NCHUNK = EPW // CHUNK
NPAD = 10240
RPT = NPAD // NS
ZCH = 128
LANES = 16



def _edge_dense_body(x_ref, w_ref, b_ref, z_ref):
    za = (
        jnp.dot(x_ref[...], w_ref[...], preferred_element_type=jnp.float32)
        + b_ref[...]
    )
    for t in range(T):
        z_ref[t] = za[:, t * H:(t + 1) * H]


def _edge_dense(x, w, b):
    blk = 1000
    return pl.pallas_call(
        _edge_dense_body,
        grid=(N // blk,),
        in_specs=[
            pl.BlockSpec((blk, H), lambda i: (i, 0)),
            pl.BlockSpec((H, T * H), lambda i: (0, 0)),
            pl.BlockSpec((1, T * H), lambda i: (0, 0)),
        ],
        out_specs=pl.BlockSpec((T, blk, H), lambda i: (0, i, 0)),
        out_shape=jax.ShapeDtypeStruct((T, N, H), jnp.float32),
    )(x, w, b)


def _comb_body(s_ref, t_ref, o_ref):
    o_ref[...] = t_ref[...] * N + s_ref[...]


def _comb(src, ty):
    rows = E // 128
    return pl.pallas_call(
        _comb_body,
        grid=(1,),
        in_specs=[
            pl.BlockSpec((rows, 128), lambda i: (0, 0)),
            pl.BlockSpec((rows, 128), lambda i: (0, 0)),
        ],
        out_specs=pl.BlockSpec((rows, 128), lambda i: (0, 0)),
        out_shape=jax.ShapeDtypeStruct((rows, 128), jnp.int32),
    )(src.reshape(rows, 128), ty.reshape(rows, 128)).reshape(E)



def _sc_accumulate_body(z_hbm, comb_hbm, dst_hbm, out_hbm,
                        comb1, dring, rows0, rows1, rows2, acc_sh,
                        isem, dsem, gsem0, gsem1, gsem2):
    cid = lax.axis_index("c")
    sid = lax.axis_index("s")
    wid = cid * NS + sid

    c_comb = pltpu.async_copy(comb_hbm.at[pl.ds(wid * EPW, EPW)], comb1, isem)

    def _zrow(r, carry):
        for c in range(H // LANES):
            rows0[r, pl.ds(c * LANES, LANES)] = jnp.zeros((LANES,), jnp.float32)
        return carry

    lax.fori_loop(0, CHUNK, _zrow, 0)
    for k in range(RPT // CHUNK):
        pltpu.sync_copy(rows0, acc_sh.at[pl.ds(sid * RPT + k * CHUNK, CHUNK)])

    c_comb.wait()
    plsc.subcore_barrier()

    def _cs(i):
        return comb1.at[pl.ds(i * CHUNK, CHUNK)]

    def _dload(i, slot):
        return pltpu.async_copy(
            dst_hbm.at[pl.ds(wid * EPW + i * CHUNK, CHUNK)],
            dring.at[slot], dsem)

    bufs = ((rows0, gsem0), (rows1, gsem1), (rows2, gsem2))
    for j in range(3):
        _dload(j, j)
        pltpu.async_copy(z_hbm.at[_cs(j)], bufs[j][0], gsem0 if j == 0
                         else (gsem1 if j == 1 else gsem2))

    def _tri(k, carry):
        i0 = 3 * k
        for j, (rb, gs) in enumerate(bufs):
            i = i0 + j
            pltpu.make_async_copy(
                dst_hbm.at[pl.ds(wid * EPW + i * CHUNK, CHUNK)],
                dring.at[j], dsem).wait()
            pltpu.make_async_copy(z_hbm.at[_cs(i)], rb, gs).wait()
            pltpu.sync_copy(rb, acc_sh.at[dring.at[j]], add=True)

            @pl.when(i + 3 < NCHUNK)
            def _():
                _dload(i + 3, j)
                pltpu.async_copy(z_hbm.at[_cs(i + 3)], rb, gs)

        return carry

    lax.fori_loop(0, NCHUNK // 3, _tri, 0)
    for j in range(NCHUNK - (NCHUNK // 3) * 3):
        i = (NCHUNK // 3) * 3 + j
        pltpu.make_async_copy(
            dst_hbm.at[pl.ds(wid * EPW + i * CHUNK, CHUNK)],
            dring.at[j], dsem).wait()
        pltpu.make_async_copy(z_hbm.at[_cs(i)], bufs[j][0], bufs[j][1]).wait()
        pltpu.sync_copy(bufs[j][0], acc_sh.at[dring.at[j]], add=True)
    plsc.subcore_barrier()

    r0 = sid * RPT
    pltpu.sync_copy(acc_sh.at[pl.ds(r0, RPT)], out_hbm.at[cid, pl.ds(r0, RPT)])


@functools.cache
def _sc_accumulate():
    mesh = plsc.VectorSubcoreMesh(
        core_axis_name="c", subcore_axis_name="s",
        num_cores=NC, num_subcores=NS)
    return pl.kernel(
        _sc_accumulate_body,
        out_type=jax.ShapeDtypeStruct((NC, NPAD, H), jnp.float32),
        mesh=mesh,
        scratch_types=[
            pltpu.VMEM((EPW,), jnp.int32),
            pltpu.VMEM((3, CHUNK), jnp.int32),
            pltpu.VMEM((CHUNK, H), jnp.float32),
            pltpu.VMEM((CHUNK, H), jnp.float32),
            pltpu.VMEM((CHUNK, H), jnp.float32),
            pltpu.VMEM_SHARED((NPAD, H), jnp.float32),
            pltpu.SemaphoreType.DMA,
            pltpu.SemaphoreType.DMA,
            pltpu.SemaphoreType.DMA,
            pltpu.SemaphoreType.DMA,
            pltpu.SemaphoreType.DMA,
        ],
    )



def _xg_body(x_ref, wi_ref, b_ref, o_ref):
    o_ref[...] = (
        jnp.dot(x_ref[...], wi_ref[...], preferred_element_type=jnp.float32)
        + b_ref[...]
    )


def _xg(x, wi, b):
    blk = 1000
    return pl.pallas_call(
        _xg_body,
        grid=(N // blk,),
        in_specs=[
            pl.BlockSpec((blk, H), lambda i: (i, 0)),
            pl.BlockSpec((H, 3 * H), lambda i: (0, 0)),
            pl.BlockSpec((1, 3 * H), lambda i: (0, 0)),
        ],
        out_specs=pl.BlockSpec((blk, 3 * H), lambda i: (i, 0)),
        out_shape=jax.ShapeDtypeStruct((N, 3 * H), jnp.float32),
    )(x, wi, b)


def _gru_body(xg_ref, p_ref, wh_ref, o_ref):
    h = p_ref[0] + p_ref[1]
    xg = xg_ref[...]
    hg = jnp.dot(h, wh_ref[...], preferred_element_type=jnp.float32)
    r = jax.nn.sigmoid(xg[:, :H] + hg[:, :H])
    z = jax.nn.sigmoid(xg[:, H:2 * H] + hg[:, H:2 * H])
    n = jnp.tanh(xg[:, 2 * H:] + r * hg[:, 2 * H:])
    o_ref[...] = (1.0 - z) * n + z * h


def _gru(xg, p, wh):
    blk = 1000
    return pl.pallas_call(
        _gru_body,
        grid=(N // blk,),
        in_specs=[
            pl.BlockSpec((blk, 3 * H), lambda i: (i, 0)),
            pl.BlockSpec((NC, blk, H), lambda i: (0, i, 0)),
            pl.BlockSpec((H, 3 * H), lambda i: (0, 0)),
        ],
        out_specs=pl.BlockSpec((blk, H), lambda i: (i, 0)),
        out_shape=jax.ShapeDtypeStruct((N, H), jnp.float32),
    )(xg, p, wh)



def kernel(statement_embeddings, source_indices, dest_indices, edge_types,
           W_edge, b_edge, Wir, Whr, br, Wiz, Whz, bz, Win, Whn, bn):
    z = _edge_dense(statement_embeddings, W_edge, b_edge.reshape(1, T * H))
    comb = _comb(source_indices, edge_types)
    partials = _sc_accumulate()(z.reshape(T * N, H), comb, dest_indices)
    wi = jnp.concatenate([Wir, Wiz, Win], axis=1)
    wh = jnp.concatenate([Whr, Whz, Whn], axis=1)
    b = jnp.concatenate([br, bz, bn]).reshape(1, 3 * H)
    xg = _xg(statement_embeddings, wi, b)
    return _gru(xg, partials, wh)

# --- scband reference (transcript-rebuilt; emitter-appended) ---
"""Pipeline reference for scband-ggnn-4698694222085 (READ-ONLY COPY).

The authoritative reference and input builder live on the scoring server;
editing this copy changes nothing except your own understanding.
"""

import jax, jax.numpy as jnp
import numpy as np

N = 10000
E = 320000
H = 128
T = 6  # num_edge_types

def _xavier(key, shape):
    fan_in, fan_out = shape[0], shape[1]
    limit = jnp.sqrt(6.0 / (fan_in + fan_out))
    return jax.random.uniform(key, shape, jnp.float32, -limit, limit)

def setup_inputs(seed: int = 0) -> dict:
    key = jax.random.key(seed)
    ks = jax.random.split(key, 16)
    inp = {}
    inp['statement_embeddings'] = jax.random.normal(ks[0], (N, H), jnp.float32)
    inp['source_indices'] = jax.random.randint(ks[1], (E,), 0, N, dtype=jnp.int32)
    inp['dest_indices'] = jax.random.randint(ks[2], (E,), 0, N, dtype=jnp.int32)
    inp['edge_types'] = jax.random.randint(ks[3], (E,), 0, T, dtype=jnp.int32)
    # edge_dense params: features = num_edge_types * hidden_size
    inp['W_edge'] = _xavier(ks[4], (H, T * H))
    inp['b_edge'] = jax.random.normal(ks[5], (T * H,), jnp.float32) * 1e-6
    # GRU cell params (flax GRUCell parameterization)
    inp['Wir'] = _xavier(ks[6], (H, H))
    inp['Whr'] = _xavier(ks[7], (H, H))
    inp['br'] = jnp.zeros((H,), jnp.float32)
    inp['Wiz'] = _xavier(ks[8], (H, H))
    inp['Whz'] = _xavier(ks[9], (H, H))
    inp['bz'] = jnp.zeros((H,), jnp.float32)
    inp['Win'] = _xavier(ks[10], (H, H))
    inp['Whn'] = _xavier(ks[11], (H, H))
    inp['bn'] = jnp.zeros((H,), jnp.float32)
    return inp

def reference(statement_embeddings, source_indices, dest_indices, edge_types,
              W_edge, b_edge, Wir, Whr, br, Wiz, Whz, bz, Win, Whn, bn):
    num_edges = edge_types.shape[0]
    # gather source node embeddings along edges
    source_embeddings = statement_embeddings[source_indices]
    # edge_dense producing per-edge-type messages
    new_all_types = source_embeddings @ W_edge + b_edge
    new_by_type = new_all_types.reshape((-1, T, H))
    # select message for each edge's type: [arange(E), edge_types, :]
    new_source_embeddings = jnp.take_along_axis(
        new_by_type, edge_types[:, None, None].astype(jnp.int32), axis=1)[:, 0, :]
    # scatter-add into destination nodes
    proposed = jax.ops.segment_sum(new_source_embeddings, dest_indices, num_segments=N)
    # GRU cell: carry = proposed, inputs = statement_embeddings
    h = proposed
    x = statement_embeddings
    r = jax.nn.sigmoid(x @ Wir + h @ Whr + br)
    z = jax.nn.sigmoid(x @ Wiz + h @ Whz + bz)
    n = jnp.tanh(x @ Win + r * (h @ Whn) + bn)
    new_h = (1.0 - z) * n + z * h
    return new_h

if __name__ == "__main__":
    import jax
    _d = setup_inputs()
    print(jax.jit(kernel)(*tuple(_d.values())))

</pallas_src>

<mosaic_0001>
#map = affine_map<(d0, d1) -> (0, 0)>
#map1 = affine_map<(d0, d1) -> (0)>
#map2 = affine_map<(d0, d1) -> (0, 0, 0)>
module attributes {stable_mosaic.version = 14 : i64} {
  func.func @_sc_accumulate_body(%arg0: i32, %arg1: i32, %arg2: memref<60000x128xf32, #tpu.memory_space<hbm>>, %arg3: memref<320000xi32, #tpu.memory_space<hbm>>, %arg4: memref<320000xi32, #tpu.memory_space<hbm>>, %arg5: memref<2x10240x128xf32, #tpu.memory_space<hbm>>, %arg6: memref<10000xi32, #tpu.memory_space<vmem>>, %arg7: memref<3x80xi32, #tpu.memory_space<vmem>>, %arg8: memref<80x128xf32, #tpu.memory_space<vmem>>, %arg9: memref<80x128xf32, #tpu.memory_space<vmem>>, %arg10: memref<80x128xf32, #tpu.memory_space<vmem>>, %arg11: memref<10240x128xf32, #tpu.memory_space<vmem_shared>>, %arg12: memref<!tpu.dma_semaphore, #tpu.memory_space<semaphore_mem>>, %arg13: memref<!tpu.dma_semaphore, #tpu.memory_space<semaphore_mem>>, %arg14: memref<!tpu.dma_semaphore, #tpu.memory_space<semaphore_mem>>, %arg15: memref<!tpu.dma_semaphore, #tpu.memory_space<semaphore_mem>>, %arg16: memref<!tpu.dma_semaphore, #tpu.memory_space<semaphore_mem>>) attributes {dimension_semantics = [#tpu.dimension_semantics<core_parallel>, #tpu.dimension_semantics<subcore_parallel>], iteration_bounds = array<i64: 2, 16>, scalar_prefetch = 0 : i64, scratch_operands = 11 : i64, tpu.core_type = #tpu.core_type<sc_vector_subcore>, window_params = [{transform_indices = #map}, {transform_indices = #map1}, {transform_indices = #map1}, {transform_indices = #map2}]} {
    %mul3A = arith.constant 16 : i32
    %mul3A_0 = arith.muli %arg0, %mul3A : i32
    %add3A = arith.addi %mul3A_0, %arg1 : i32
    %mul3A_1 = arith.constant 10000 : i32
    %mul3A_2 = arith.muli %add3A, %mul3A_1 : i32
    %dma_start3A = tpu.memref_slice %arg3[%mul3A_2] : memref<320000xi32, #tpu.memory_space<hbm>> -> memref<10000xi32, #tpu.memory_space<hbm>>
    %dma_start3A_3 = tpu.memref_slice %arg3[%mul3A_2] : memref<320000xi32, #tpu.memory_space<hbm>> -> memref<10000xi32, #tpu.memory_space<hbm>>
    tpu.enqueue_dma source(%dma_start3A_3 : memref<10000xi32, #tpu.memory_space<hbm>>) target(%arg6 : memref<10000xi32, #tpu.memory_space<vmem>>) target_semaphore(%arg12 : memref<!tpu.dma_semaphore, #tpu.memory_space<semaphore_mem>>)
    %scan3A = arith.constant 0 : i32
    %scan3A_4 = arith.constant 0 : i32
    %scan3A_5 = arith.constant 80 : i32
    %scan3A_6 = arith.addi %scan3A_4, %scan3A_5 : i32
    %scan3A_7 = arith.constant 1 : i32
    scf.for %scan3A_142 = %scan3A_4 to %scan3A_6 step %scan3A_7  : i32 {
      %broadcast_in_dim3A = arith.constant 0.000000e+00 : f32
      %broadcast_in_dim3A_143 = vector.broadcast %broadcast_in_dim3A : f32 to vector<16xf32>
      %swap3A = arith.index_cast %scan3A_142 : i32 to index
      %swap3A_144 = arith.constant 0 : index
      %swap3A_145 = tpu.vector_load %arg8[%swap3A, %swap3A_144] {strides = array<i32>} : memref<80x128xf32, #tpu.memory_space<vmem>>, vector<1x16xf32>,
      %swap3A_146 = vector.shape_cast %swap3A_145 : vector<1x16xf32> to vector<16xf32>
      %swap3A_147 = vector.shape_cast %broadcast_in_dim3A_143 : vector<16xf32> to vector<1x16xf32>
      tpu.vector_store %arg8[%swap3A, %swap3A_144], %swap3A_147 {strides = array<i32>} : memref<80x128xf32, #tpu.memory_space<vmem>>, vector<1x16xf32>,
      %broadcast_in_dim3A_148 = arith.constant 0.000000e+00 : f32
      %broadcast_in_dim3A_149 = vector.broadcast %broadcast_in_dim3A_148 : f32 to vector<16xf32>
      %swap3A_150 = arith.index_cast %scan3A_142 : i32 to index
      %swap3A_151 = arith.constant 16 : index
      %swap3A_152 = tpu.vector_load %arg8[%swap3A_150, %swap3A_151] {strides = array<i32>} : memref<80x128xf32, #tpu.memory_space<vmem>>, vector<1x16xf32>,
      %swap3A_153 = vector.shape_cast %swap3A_152 : vector<1x16xf32> to vector<16xf32>
      %swap3A_154 = vector.shape_cast %broadcast_in_dim3A_149 : vector<16xf32> to vector<1x16xf32>
      tpu.vector_store %arg8[%swap3A_150, %swap3A_151], %swap3A_154 {strides = array<i32>} : memref<80x128xf32, #tpu.memory_space<vmem>>, vector<1x16xf32>,
      %broadcast_in_dim3A_155 = arith.constant 0.000000e+00 : f32
      %broadcast_in_dim3A_156 = vector.broadcast %broadcast_in_dim3A_155 : f32 to vector<16xf32>
      %swap3A_157 = arith.index_cast %scan3A_142 : i32 to index
      %swap3A_158 = arith.constant 32 : index
      %swap3A_159 = tpu.vector_load %arg8[%swap3A_157, %swap3A_158] {strides = array<i32>} : memref<80x128xf32, #tpu.memory_space<vmem>>, vector<1x16xf32>,
      %swap3A_160 = vector.shape_cast %swap3A_159 : vector<1x16xf32> to vector<16xf32>
      %swap3A_161 = vector.shape_cast %broadcast_in_dim3A_156 : vector<16xf32> to vector<1x16xf32>
      tpu.vector_store %arg8[%swap3A_157, %swap3A_158], %swap3A_161 {strides = array<i32>} : memref<80x128xf32, #tpu.memory_space<vmem>>, vector<1x16xf32>,
      %broadcast_in_dim3A_162 = arith.constant 0.000000e+00 : f32
      %broadcast_in_dim3A_163 = vector.broadcast %broadcast_in_dim3A_162 : f32 to vector<16xf32>
      %swap3A_164 = arith.index_cast %scan3A_142 : i32 to index
      %swap3A_165 = arith.constant 48 : index
      %swap3A_166 = tpu.vector_load %arg8[%swap3A_164, %swap3A_165] {strides = array<i32>} : memref<80x128xf32, #tpu.memory_space<vmem>>, vector<1x16xf32>,
      %swap3A_167 = vector.shape_cast %swap3A_166 : vector<1x16xf32> to vector<16xf32>
      %swap3A_168 = vector.shape_cast %broadcast_in_dim3A_163 : vector<16xf32> to vector<1x16xf32>
      tpu.vector_store %arg8[%swap3A_164, %swap3A_165], %swap3A_168 {strides = array<i32>} : memref<80x128xf32, #tpu.memory_space<vmem>>, vector<1x16xf32>,
      %broadcast_in_dim3A_169 = arith.constant 0.000000e+00 : f32
      %broadcast_in_dim3A_170 = vector.broadcast %broadcast_in_dim3A_169 : f32 to vector<16xf32>
      %swap3A_171 = arith.index_cast %scan3A_142 : i32 to index
      %swap3A_172 = arith.constant 64 : index
      %swap3A_173 = tpu.vector_load %arg8[%swap3A_171, %swap3A_172] {strides = array<i32>} : memref<80x128xf32, #tpu.memory_space<vmem>>, vector<1x16xf32>,
      %swap3A_174 = vector.shape_cast %swap3A_173 : vector<1x16xf32> to vector<16xf32>
      %swap3A_175 = vector.shape_cast %broadcast_in_dim3A_170 : vector<16xf32> to vector<1x16xf32>
      tpu.vector_store %arg8[%swap3A_171, %swap3A_172], %swap3A_175 {strides = array<i32>} : memref<80x128xf32, #tpu.memory_space<vmem>>, vector<1x16xf32>,
      %broadcast_in_dim3A_176 = arith.constant 0.000000e+00 : f32
      %broadcast_in_dim3A_177 = vector.broadcast %broadcast_in_dim3A_176 : f32 to vector<16xf32>
      %swap3A_178 = arith.index_cast %scan3A_142 : i32 to index
      %swap3A_179 = arith.constant 80 : index
      %swap3A_180 = tpu.vector_load %arg8[%swap3A_178, %swap3A_179] {strides = array<i32>} : memref<80x128xf32, #tpu.memory_space<vmem>>, vector<1x16xf32>,
      %swap3A_181 = vector.shape_cast %swap3A_180 : vector<1x16xf32> to vector<16xf32>
      %swap3A_182 = vector.shape_cast %broadcast_in_dim3A_177 : vector<16xf32> to vector<1x16xf32>
      tpu.vector_store %arg8[%swap3A_178, %swap3A_179], %swap3A_182 {strides = array<i32>} : memref<80x128xf32, #tpu.memory_space<vmem>>, vector<1x16xf32>,
      %broadcast_in_dim3A_183 = arith.constant 0.000000e+00 : f32
      %broadcast_in_dim3A_184 = vector.broadcast %broadcast_in_dim3A_183 : f32 to vector<16xf32>
      %swap3A_185 = arith.index_cast %scan3A_142 : i32 to index
      %swap3A_186 = arith.constant 96 : index
      %swap3A_187 = tpu.vector_load %arg8[%swap3A_185, %swap3A_186] {strides = array<i32>} : memref<80x128xf32, #tpu.memory_space<vmem>>, vector<1x16xf32>,
      %swap3A_188 = vector.shape_cast %swap3A_187 : vector<1x16xf32> to vector<16xf32>
      %swap3A_189 = vector.shape_cast %broadcast_in_dim3A_184 : vector<16xf32> to vector<1x16xf32>
      tpu.vector_store %arg8[%swap3A_185, %swap3A_186], %swap3A_189 {strides = array<i32>} : memref<80x128xf32, #tpu.memory_space<vmem>>, vector<1x16xf32>,
      %broadcast_in_dim3A_190 = arith.constant 0.000000e+00 : f32
      %broadcast_in_dim3A_191 = vector.broadcast %broadcast_in_dim3A_190 : f32 to vector<16xf32>
      %swap3A_192 = arith.index_cast %scan3A_142 : i32 to index
      %swap3A_193 = arith.constant 112 : index
      %swap3A_194 = tpu.vector_load %arg8[%swap3A_192, %swap3A_193] {strides = array<i32>} : memref<80x128xf32, #tpu.memory_space<vmem>>, vector<1x16xf32>,
      %swap3A_195 = vector.shape_cast %swap3A_194 : vector<1x16xf32> to vector<16xf32>
      %swap3A_196 = vector.shape_cast %broadcast_in_dim3A_191 : vector<16xf32> to vector<1x16xf32>
      tpu.vector_store %arg8[%swap3A_192, %swap3A_193], %swap3A_196 {strides = array<i32>} : memref<80x128xf32, #tpu.memory_space<vmem>>, vector<1x16xf32>,
    }
    %scan3A_8 = arith.constant 80 : i32
    %mul3A_9 = arith.constant 640 : i32
    %mul3A_10 = arith.muli %arg1, %mul3A_9 : i32
    %add3A_11 = arith.constant 0 : i32
    %add3A_12 = arith.addi %mul3A_10, %add3A_11 : i32
    "tpu.region"() ({
      %run_scoped3A_142 = tpu.sem_alloc : memref<!tpu.dma_semaphore, #tpu.memory_space<semaphore_mem>>
      %dma_start3A_143 = arith.constant 0 : i32
      %dma_start3A_144 = tpu.memref_slice %arg11[%add3A_12, %dma_start3A_143] : memref<10240x128xf32, #tpu.memory_space<vmem_shared>> -> memref<80x128xf32, #tpu.memory_space<vmem_shared>>
      %dma_start3A_145 = arith.constant 0 : i32
      %dma_start3A_146 = tpu.memref_slice %arg11[%add3A_12, %dma_start3A_145] : memref<10240x128xf32, #tpu.memory_space<vmem_shared>> -> memref<80x128xf32, #tpu.memory_space<vmem_shared>>
      tpu.enqueue_dma source(%arg8 : memref<80x128xf32, #tpu.memory_space<vmem>>) target(%dma_start3A_146 : memref<80x128xf32, #tpu.memory_space<vmem_shared>>) target_semaphore(%run_scoped3A_142 : memref<!tpu.dma_semaphore, #tpu.memory_space<semaphore_mem>>)
      %dma_wait3A_147 = arith.constant 0 : i32
      %dma_wait3A_148 = tpu.memref_slice %arg11[%add3A_12, %dma_wait3A_147] : memref<10240x128xf32, #tpu.memory_space<vmem_shared>> -> memref<80x128xf32, #tpu.memory_space<vmem_shared>>
      %dma_wait3A_149 = arith.constant 0 : i32
      %dma_wait3A_150 = tpu.memref_slice %arg11[%add3A_12, %dma_wait3A_149] : memref<10240x128xf32, #tpu.memory_space<vmem_shared>> -> memref<80x128xf32, #tpu.memory_space<vmem_shared>>
      tpu.wait_dma2 semaphore(%run_scoped3A_142 : memref<!tpu.dma_semaphore, #tpu.memory_space<semaphore_mem>>) src(%arg8 : memref<80x128xf32, #tpu.memory_space<vmem>>) dst(%dma_wait3A_150 : memref<80x128xf32, #tpu.memory_space<vmem_shared>>)
      tpu.yield
    }) : () -> ()
    %mul3A_13 = arith.constant 640 : i32
    %mul3A_14 = arith.muli %arg1, %mul3A_13 : i32
    %add3A_15 = arith.constant 80 : i32
    %add3A_16 = arith.addi %mul3A_14, %add3A_15 : i32
    "tpu.region"() ({
      %run_scoped3A_142 = tpu.sem_alloc : memref<!tpu.dma_semaphore, #tpu.memory_space<semaphore_mem>>
      %dma_start3A_143 = arith.constant 0 : i32
      %dma_start3A_144 = tpu.memref_slice %arg11[%add3A_16, %dma_start3A_143] : memref<10240x128xf32, #tpu.memory_space<vmem_shared>> -> memref<80x128xf32, #tpu.memory_space<vmem_shared>>
      %dma_start3A_145 = arith.constant 0 : i32
      %dma_start3A_146 = tpu.memref_slice %arg11[%add3A_16, %dma_start3A_145] : memref<10240x128xf32, #tpu.memory_space<vmem_shared>> -> memref<80x128xf32, #tpu.memory_space<vmem_shared>>
      tpu.enqueue_dma source(%arg8 : memref<80x128xf32, #tpu.memory_space<vmem>>) target(%dma_start3A_146 : memref<80x128xf32, #tpu.memory_space<vmem_shared>>) target_semaphore(%run_scoped3A_142 : memref<!tpu.dma_semaphore, #tpu.memory_space<semaphore_mem>>)
      %dma_wait3A_147 = arith.constant 0 : i32
      %dma_wait3A_148 = tpu.memref_slice %arg11[%add3A_16, %dma_wait3A_147] : memref<10240x128xf32, #tpu.memory_space<vmem_shared>> -> memref<80x128xf32, #tpu.memory_space<vmem_shared>>
      %dma_wait3A_149 = arith.constant 0 : i32
      %dma_wait3A_150 = tpu.memref_slice %arg11[%add3A_16, %dma_wait3A_149] : memref<10240x128xf32, #tpu.memory_space<vmem_shared>> -> memref<80x128xf32, #tpu.memory_space<vmem_shared>>
      tpu.wait_dma2 semaphore(%run_scoped3A_142 : memref<!tpu.dma_semaphore, #tpu.memory_space<semaphore_mem>>) src(%arg8 : memref<80x128xf32, #tpu.memory_space<vmem>>) dst(%dma_wait3A_150 : memref<80x128xf32, #tpu.memory_space<vmem_shared>>)
      tpu.yield
    }) : () -> ()
    %mul3A_17 = arith.constant 640 : i32
    %mul3A_18 = arith.muli %arg1, %mul3A_17 : i32
    %add3A_19 = arith.constant 160 : i32
    %add3A_20 = arith.addi %mul3A_18, %add3A_19 : i32
    "tpu.region"() ({
      %run_scoped3A_142 = tpu.sem_alloc : memref<!tpu.dma_semaphore, #tpu.memory_space<semaphore_mem>>
      %dma_start3A_143 = arith.constant 0 : i32
      %dma_start3A_144 = tpu.memref_slice %arg11[%add3A_20, %dma_start3A_143] : memref<10240x128xf32, #tpu.memory_space<vmem_shared>> -> memref<80x128xf32, #tpu.memory_space<vmem_shared>>
      %dma_start3A_145 = arith.constant 0 : i32
      %dma_start3A_146 = tpu.memref_slice %arg11[%add3A_20, %dma_start3A_145] : memref<10240x128xf32, #tpu.memory_space<vmem_shared>> -> memref<80x128xf32, #tpu.memory_space<vmem_shared>>
      tpu.enqueue_dma source(%arg8 : memref<80x128xf32, #tpu.memory_space<vmem>>) target(%dma_start3A_146 : memref<80x128xf32, #tpu.memory_space<vmem_shared>>) target_semaphore(%run_scoped3A_142 : memref<!tpu.dma_semaphore, #tpu.memory_space<semaphore_mem>>)
      %dma_wait3A_147 = arith.constant 0 : i32
      %dma_wait3A_148 = tpu.memref_slice %arg11[%add3A_20, %dma_wait3A_147] : memref<10240x128xf32, #tpu.memory_space<vmem_shared>> -> memref<80x128xf32, #tpu.memory_space<vmem_shared>>
      %dma_wait3A_149 = arith.constant 0 : i32
      %dma_wait3A_150 = tpu.memref_slice %arg11[%add3A_20, %dma_wait3A_149] : memref<10240x128xf32, #tpu.memory_space<vmem_shared>> -> memref<80x128xf32, #tpu.memory_space<vmem_shared>>
      tpu.wait_dma2 semaphore(%run_scoped3A_142 : memref<!tpu.dma_semaphore, #tpu.memory_space<semaphore_mem>>) src(%arg8 : memref<80x128xf32, #tpu.memory_space<vmem>>) dst(%dma_wait3A_150 : memref<80x128xf32, #tpu.memory_space<vmem_shared>>)
      tpu.yield
    }) : () -> ()
    %mul3A_21 = arith.constant 640 : i32
    %mul3A_22 = arith.muli %arg1, %mul3A_21 : i32
    %add3A_23 = arith.constant 240 : i32
    %add3A_24 = arith.addi %mul3A_22, %add3A_23 : i32
    "tpu.region"() ({
      %run_scoped3A_142 = tpu.sem_alloc : memref<!tpu.dma_semaphore, #tpu.memory_space<semaphore_mem>>
      %dma_start3A_143 = arith.constant 0 : i32
      %dma_start3A_144 = tpu.memref_slice %arg11[%add3A_24, %dma_start3A_143] : memref<10240x128xf32, #tpu.memory_space<vmem_shared>> -> memref<80x128xf32, #tpu.memory_space<vmem_shared>>
      %dma_start3A_145 = arith.constant 0 : i32
      %dma_start3A_146 = tpu.memref_slice %arg11[%add3A_24, %dma_start3A_145] : memref<10240x128xf32, #tpu.memory_space<vmem_shared>> -> memref<80x128xf32, #tpu.memory_space<vmem_shared>>
      tpu.enqueue_dma source(%arg8 : memref<80x128xf32, #tpu.memory_space<vmem>>) target(%dma_start3A_146 : memref<80x128xf32, #tpu.memory_space<vmem_shared>>) target_semaphore(%run_scoped3A_142 : memref<!tpu.dma_semaphore, #tpu.memory_space<semaphore_mem>>)
      %dma_wait3A_147 = arith.constant 0 : i32
      %dma_wait3A_148 = tpu.memref_slice %arg11[%add3A_24, %dma_wait3A_147] : memref<10240x128xf32, #tpu.memory_space<vmem_shared>> -> memref<80x128xf32, #tpu.memory_space<vmem_shared>>
      %dma_wait3A_149 = arith.constant 0 : i32
      %dma_wait3A_150 = tpu.memref_slice %arg11[%add3A_24, %dma_wait3A_149] : memref<10240x128xf32, #tpu.memory_space<vmem_shared>> -> memref<80x128xf32, #tpu.memory_space<vmem_shared>>
      tpu.wait_dma2 semaphore(%run_scoped3A_142 : memref<!tpu.dma_semaphore, #tpu.memory_space<semaphore_mem>>) src(%arg8 : memref<80x128xf32, #tpu.memory_space<vmem>>) dst(%dma_wait3A_150 : memref<80x128xf32, #tpu.memory_space<vmem_shared>>)
      tpu.yield
    }) : () -> ()
    %mul3A_25 = arith.constant 640 : i32
    %mul3A_26 = arith.muli %arg1, %mul3A_25 : i32
    %add3A_27 = arith.constant 320 : i32
    %add3A_28 = arith.addi %mul3A_26, %add3A_27 : i32
    "tpu.region"() ({
      %run_scoped3A_142 = tpu.sem_alloc : memref<!tpu.dma_semaphore, #tpu.memory_space<semaphore_mem>>
      %dma_start3A_143 = arith.constant 0 : i32
      %dma_start3A_144 = tpu.memref_slice %arg11[%add3A_28, %dma_start3A_143] : memref<10240x128xf32, #tpu.memory_space<vmem_shared>> -> memref<80x128xf32, #tpu.memory_space<vmem_shared>>
      %dma_start3A_145 = arith.constant 0 : i32
      %dma_start3A_146 = tpu.memref_slice %arg11[%add3A_28, %dma_start3A_145] : memref<10240x128xf32, #tpu.memory_space<vmem_shared>> -> memref<80x128xf32, #tpu.memory_space<vmem_shared>>
      tpu.enqueue_dma source(%arg8 : memref<80x128xf32, #tpu.memory_space<vmem>>) target(%dma_start3A_146 : memref<80x128xf32, #tpu.memory_space<vmem_shared>>) target_semaphore(%run_scoped3A_142 : memref<!tpu.dma_semaphore, #tpu.memory_space<semaphore_mem>>)
      %dma_wait3A_147 = arith.constant 0 : i32
      %dma_wait3A_148 = tpu.memref_slice %arg11[%add3A_28, %dma_wait3A_147] : memref<10240x128xf32, #tpu.memory_space<vmem_shared>> -> memref<80x128xf32, #tpu.memory_space<vmem_shared>>
      %dma_wait3A_149 = arith.constant 0 : i32
      %dma_wait3A_150 = tpu.memref_slice %arg11[%add3A_28, %dma_wait3A_149] : memref<10240x128xf32, #tpu.memory_space<vmem_shared>> -> memref<80x128xf32, #tpu.memory_space<vmem_shared>>
      tpu.wait_dma2 semaphore(%run_scoped3A_142 : memref<!tpu.dma_semaphore, #tpu.memory_space<semaphore_mem>>) src(%arg8 : memref<80x128xf32, #tpu.memory_space<vmem>>) dst(%dma_wait3A_150 : memref<80x128xf32, #tpu.memory_space<vmem_shared>>)
      tpu.yield
    }) : () -> ()
    %mul3A_29 = arith.constant 640 : i32
    %mul3A_30 = arith.muli %arg1, %mul3A_29 : i32
    %add3A_31 = arith.constant 400 : i32
    %add3A_32 = arith.addi %mul3A_30, %add3A_31 : i32
    "tpu.region"() ({
      %run_scoped3A_142 = tpu.sem_alloc : memref<!tpu.dma_semaphore, #tpu.memory_space<semaphore_mem>>
      %dma_start3A_143 = arith.constant 0 : i32
      %dma_start3A_144 = tpu.memref_slice %arg11[%add3A_32, %dma_start3A_143] : memref<10240x128xf32, #tpu.memory_space<vmem_shared>> -> memref<80x128xf32, #tpu.memory_space<vmem_shared>>
      %dma_start3A_145 = arith.constant 0 : i32
      %dma_start3A_146 = tpu.memref_slice %arg11[%add3A_32, %dma_start3A_145] : memref<10240x128xf32, #tpu.memory_space<vmem_shared>> -> memref<80x128xf32, #tpu.memory_space<vmem_shared>>
      tpu.enqueue_dma source(%arg8 : memref<80x128xf32, #tpu.memory_space<vmem>>) target(%dma_start3A_146 : memref<80x128xf32, #tpu.memory_space<vmem_shared>>) target_semaphore(%run_scoped3A_142 : memref<!tpu.dma_semaphore, #tpu.memory_space<semaphore_mem>>)
      %dma_wait3A_147 = arith.constant 0 : i32
      %dma_wait3A_148 = tpu.memref_slice %arg11[%add3A_32, %dma_wait3A_147] : memref<10240x128xf32, #tpu.memory_space<vmem_shared>> -> memref<80x128xf32, #tpu.memory_space<vmem_shared>>
      %dma_wait3A_149 = arith.constant 0 : i32
      %dma_wait3A_150 = tpu.memref_slice %arg11[%add3A_32, %dma_wait3A_149] : memref<10240x128xf32, #tpu.memory_space<vmem_shared>> -> memref<80x128xf32, #tpu.memory_space<vmem_shared>>
      tpu.wait_dma2 semaphore(%run_scoped3A_142 : memref<!tpu.dma_semaphore, #tpu.memory_space<semaphore_mem>>) src(%arg8 : memref<80x128xf32, #tpu.memory_space<vmem>>) dst(%dma_wait3A_150 : memref<80x128xf32, #tpu.memory_space<vmem_shared>>)
      tpu.yield
    }) : () -> ()
    %mul3A_33 = arith.constant 640 : i32
    %mul3A_34 = arith.muli %arg1, %mul3A_33 : i32
    %add3A_35 = arith.constant 480 : i32
    %add3A_36 = arith.addi %mul3A_34, %add3A_35 : i32
    "tpu.region"() ({
      %run_scoped3A_142 = tpu.sem_alloc : memref<!tpu.dma_semaphore, #tpu.memory_space<semaphore_mem>>
      %dma_start3A_143 = arith.constant 0 : i32
      %dma_start3A_144 = tpu.memref_slice %arg11[%add3A_36, %dma_start3A_143] : memref<10240x128xf32, #tpu.memory_space<vmem_shared>> -> memref<80x128xf32, #tpu.memory_space<vmem_shared>>
      %dma_start3A_145 = arith.constant 0 : i32
      %dma_start3A_146 = tpu.memref_slice %arg11[%add3A_36, %dma_start3A_145] : memref<10240x128xf32, #tpu.memory_space<vmem_shared>> -> memref<80x128xf32, #tpu.memory_space<vmem_shared>>
      tpu.enqueue_dma source(%arg8 : memref<80x128xf32, #tpu.memory_space<vmem>>) target(%dma_start3A_146 : memref<80x128xf32, #tpu.memory_space<vmem_shared>>) target_semaphore(%run_scoped3A_142 : memref<!tpu.dma_semaphore, #tpu.memory_space<semaphore_mem>>)
      %dma_wait3A_147 = arith.constant 0 : i32
      %dma_wait3A_148 = tpu.memref_slice %arg11[%add3A_36, %dma_wait3A_147] : memref<10240x128xf32, #tpu.memory_space<vmem_shared>> -> memref<80x128xf32, #tpu.memory_space<vmem_shared>>
      %dma_wait3A_149 = arith.constant 0 : i32
      %dma_wait3A_150 = tpu.memref_slice %arg11[%add3A_36, %dma_wait3A_149] : memref<10240x128xf32, #tpu.memory_space<vmem_shared>> -> memref<80x128xf32, #tpu.memory_space<vmem_shared>>
      tpu.wait_dma2 semaphore(%run_scoped3A_142 : memref<!tpu.dma_semaphore, #tpu.memory_space<semaphore_mem>>) src(%arg8 : memref<80x128xf32, #tpu.memory_space<vmem>>) dst(%dma_wait3A_150 : memref<80x128xf32, #tpu.memory_space<vmem_shared>>)
      tpu.yield
    }) : () -> ()
    %mul3A_37 = arith.constant 640 : i32
    %mul3A_38 = arith.muli %arg1, %mul3A_37 : i32
    %add3A_39 = arith.constant 560 : i32
    %add3A_40 = arith.addi %mul3A_38, %add3A_39 : i32
    "tpu.region"() ({
      %run_scoped3A_142 = tpu.sem_alloc : memref<!tpu.dma_semaphore, #tpu.memory_space<semaphore_mem>>
      %dma_start3A_143 = arith.constant 0 : i32
      %dma_start3A_144 = tpu.memref_slice %arg11[%add3A_40, %dma_start3A_143] : memref<10240x128xf32, #tpu.memory_space<vmem_shared>> -> memref<80x128xf32, #tpu.memory_space<vmem_shared>>
      %dma_start3A_145 = arith.constant 0 : i32
      %dma_start3A_146 = tpu.memref_slice %arg11[%add3A_40, %dma_start3A_145] : memref<10240x128xf32, #tpu.memory_space<vmem_shared>> -> memref<80x128xf32, #tpu.memory_space<vmem_shared>>
      tpu.enqueue_dma source(%arg8 : memref<80x128xf32, #tpu.memory_space<vmem>>) target(%dma_start3A_146 : memref<80x128xf32, #tpu.memory_space<vmem_shared>>) target_semaphore(%run_scoped3A_142 : memref<!tpu.dma_semaphore, #tpu.memory_space<semaphore_mem>>)
      %dma_wait3A_147 = arith.constant 0 : i32
      %dma_wait3A_148 = tpu.memref_slice %arg11[%add3A_40, %dma_wait3A_147] : memref<10240x128xf32, #tpu.memory_space<vmem_shared>> -> memref<80x128xf32, #tpu.memory_space<vmem_shared>>
      %dma_wait3A_149 = arith.constant 0 : i32
      %dma_wait3A_150 = tpu.memref_slice %arg11[%add3A_40, %dma_wait3A_149] : memref<10240x128xf32, #tpu.memory_space<vmem_shared>> -> memref<80x128xf32, #tpu.memory_space<vmem_shared>>
      tpu.wait_dma2 semaphore(%run_scoped3A_142 : memref<!tpu.dma_semaphore, #tpu.memory_space<semaphore_mem>>) src(%arg8 : memref<80x128xf32, #tpu.memory_space<vmem>>) dst(%dma_wait3A_150 : memref<80x128xf32, #tpu.memory_space<vmem_shared>>)
      tpu.yield
    }) : () -> ()
    %dma_wait3A = tpu.memref_slice %arg3[%mul3A_2] : memref<320000xi32, #tpu.memory_space<hbm>> -> memref<10000xi32, #tpu.memory_space<hbm>>
    %dma_wait3A_41 = tpu.memref_slice %arg3[%mul3A_2] : memref<320000xi32, #tpu.memory_space<hbm>> -> memref<10000xi32, #tpu.memory_space<hbm>>
    tpu.wait_dma2 semaphore(%arg12 : memref<!tpu.dma_semaphore, #tpu.memory_space<semaphore_mem>>) src(%dma_wait3A_41 : memref<10000xi32, #tpu.memory_space<hbm>>) dst(%arg6 : memref<10000xi32, #tpu.memory_space<vmem>>)
    %barrier3A = arith.constant 0 : index
    tpu.barrier barrier_id(%barrier3A)
    %mul3A_42 = arith.constant 10000 : i32
    %mul3A_43 = arith.muli %add3A, %mul3A_42 : i32
    %add3A_44 = arith.constant 0 : i32
    %add3A_45 = arith.addi %mul3A_43, %add3A_44 : i32
    %dma_start3A_46 = arith.constant 0 : i32
    %dma_start3A_47 = arith.constant 0 : i32
    %dma_start3A_48 = tpu.memref_slice %arg7[%dma_start3A_46, %dma_start3A_47] : memref<3x80xi32, #tpu.memory_space<vmem>> -> memref<1x80xi32, #tpu.memory_space<vmem>>
    %dma_start3A_49 = tpu.memref_squeeze %dma_start3A_48 : memref<1x80xi32, #tpu.memory_space<vmem>> -> memref<80xi32, #tpu.memory_space<vmem>>
    %dma_start3A_50 = tpu.memref_slice %arg4[%add3A_45] : memref<320000xi32, #tpu.memory_space<hbm>> -> memref<80xi32, #tpu.memory_space<hbm>>
    %dma_start3A_51 = arith.constant 0 : i32
    %dma_start3A_52 = tpu.memref_slice %arg7[%dma_start3A_46, %dma_start3A_51] : memref<3x80xi32, #tpu.memory_space<vmem>> -> memref<1x80xi32, #tpu.memory_space<vmem>>
    %dma_start3A_53 = tpu.memref_squeeze %dma_start3A_52 : memref<1x80xi32, #tpu.memory_space<vmem>> -> memref<80xi32, #tpu.memory_space<vmem>>
    %dma_start3A_54 = tpu.memref_slice %arg4[%add3A_45] : memref<320000xi32, #tpu.memory_space<hbm>> -> memref<80xi32, #tpu.memory_space<hbm>>
    tpu.enqueue_dma source(%dma_start3A_54 : memref<80xi32, #tpu.memory_space<hbm>>) target(%dma_start3A_53 : memref<80xi32, #tpu.memory_space<vmem>>) target_semaphore(%arg13 : memref<!tpu.dma_semaphore, #tpu.memory_space<semaphore_mem>>)
    %dma_start3A_55 = arith.constant 0 : i32
    %dma_start3A_56 = tpu.memref_slice %arg6[%dma_start3A_55] : memref<10000xi32, #tpu.memory_space<vmem>> -> memref<80xi32, #tpu.memory_space<vmem>>
    %dma_start3A_57 = arith.constant 0 : i32
    %dma_start3A_58 = arith.constant 0 : i32
    %dma_start3A_59 = tpu.memref_slice %arg2[%dma_start3A_57, %dma_start3A_58] : memref<60000x128xf32, #tpu.memory_space<hbm>> -> memref<60000x128xf32, #tpu.memory_space<hbm>>
    tpu.enqueue_indirect_dma source(%dma_start3A_59 : memref<60000x128xf32, #tpu.memory_space<hbm>>) target(%arg8 : memref<80x128xf32, #tpu.memory_space<vmem>>) offsets(%dma_start3A_56 : memref<80xi32, #tpu.memory_space<vmem>>) semaphore(%arg14 : memref<!tpu.dma_semaphore, #tpu.memory_space<semaphore_mem>>)
    %mul3A_60 = arith.constant 10000 : i32
    %mul3A_61 = arith.muli %add3A, %mul3A_60 : i32
    %add3A_62 = arith.constant 80 : i32
    %add3A_63 = arith.addi %mul3A_61, %add3A_62 : i32
    %dma_start3A_64 = arith.constant 1 : i32
    %dma_start3A_65 = arith.constant 0 : i32
    %dma_start3A_66 = tpu.memref_slice %arg7[%dma_start3A_64, %dma_start3A_65] : memref<3x80xi32, #tpu.memory_space<vmem>> -> memref<1x80xi32, #tpu.memory_space<vmem>>
    %dma_start3A_67 = tpu.memref_squeeze %dma_start3A_66 : memref<1x80xi32, #tpu.memory_space<vmem>> -> memref<80xi32, #tpu.memory_space<vmem>>
    %dma_start3A_68 = tpu.memref_slice %arg4[%add3A_63] : memref<320000xi32, #tpu.memory_space<hbm>> -> memref<80xi32, #tpu.memory_space<hbm>>
    %dma_start3A_69 = arith.constant 0 : i32
    %dma_start3A_70 = tpu.memref_slice %arg7[%dma_start3A_64, %dma_start3A_69] : memref<3x80xi32, #tpu.memory_space<vmem>> -> memref<1x80xi32, #tpu.memory_space<vmem>>
    %dma_start3A_71 = tpu.memref_squeeze %dma_start3A_70 : memref<1x80xi32, #tpu.memory_space<vmem>> -> memref<80xi32, #tpu.memory_space<vmem>>
    %dma_start3A_72 = tpu.memref_slice %arg4[%add3A_63] : memref<320000xi32, #tpu.memory_space<hbm>> -> memref<80xi32, #tpu.memory_space<hbm>>
    tpu.enqueue_dma source(%dma_start3A_72 : memref<80xi32, #tpu.memory_space<hbm>>) target(%dma_start3A_71 : memref<80xi32, #tpu.memory_space<vmem>>) target_semaphore(%arg13 : memref<!tpu.dma_semaphore, #tpu.memory_space<semaphore_mem>>)
    %dma_start3A_73 = arith.constant 80 : i32
    %dma_start3A_74 = tpu.memref_slice %arg6[%dma_start3A_73] : memref<10000xi32, #tpu.memory_space<vmem>> -> memref<80xi32, #tpu.memory_space<vmem>>
    %dma_start3A_75 = arith.constant 0 : i32
    %dma_start3A_76 = arith.constant 0 : i32
    %dma_start3A_77 = tpu.memref_slice %arg2[%dma_start3A_75, %dma_start3A_76] : memref<60000x128xf32, #tpu.memory_space<hbm>> -> memref<60000x128xf32, #tpu.memory_space<hbm>>
    tpu.enqueue_indirect_dma source(%dma_start3A_77 : memref<60000x128xf32, #tpu.memory_space<hbm>>) target(%arg9 : memref<80x128xf32, #tpu.memory_space<vmem>>) offsets(%dma_start3A_74 : memref<80xi32, #tpu.memory_space<vmem>>) semaphore(%arg15 : memref<!tpu.dma_semaphore, #tpu.memory_space<semaphore_mem>>)
    %mul3A_78 = arith.constant 10000 : i32
    %mul3A_79 = arith.muli %add3A, %mul3A_78 : i32
    %add3A_80 = arith.constant 160 : i32
    %add3A_81 = arith.addi %mul3A_79, %add3A_80 : i32
    %dma_start3A_82 = arith.constant 2 : i32
    %dma_start3A_83 = arith.constant 0 : i32
    %dma_start3A_84 = tpu.memref_slice %arg7[%dma_start3A_82, %dma_start3A_83] : memref<3x80xi32, #tpu.memory_space<vmem>> -> memref<1x80xi32, #tpu.memory_space<vmem>>
    %dma_start3A_85 = tpu.memref_squeeze %dma_start3A_84 : memref<1x80xi32, #tpu.memory_space<vmem>> -> memref<80xi32, #tpu.memory_space<vmem>>
    %dma_start3A_86 = tpu.memref_slice %arg4[%add3A_81] : memref<320000xi32, #tpu.memory_space<hbm>> -> memref<80xi32, #tpu.memory_space<hbm>>
    %dma_start3A_87 = arith.constant 0 : i32
    %dma_start3A_88 = tpu.memref_slice %arg7[%dma_start3A_82, %dma_start3A_87] : memref<3x80xi32, #tpu.memory_space<vmem>> -> memref<1x80xi32, #tpu.memory_space<vmem>>
    %dma_start3A_89 = tpu.memref_squeeze %dma_start3A_88 : memref<1x80xi32, #tpu.memory_space<vmem>> -> memref<80xi32, #tpu.memory_space<vmem>>
    %dma_start3A_90 = tpu.memref_slice %arg4[%add3A_81] : memref<320000xi32, #tpu.memory_space<hbm>> -> memref<80xi32, #tpu.memory_space<hbm>>
    tpu.enqueue_dma source(%dma_start3A_90 : memref<80xi32, #tpu.memory_space<hbm>>) target(%dma_start3A_89 : memref<80xi32, #tpu.memory_space<vmem>>) target_semaphore(%arg13 : memref<!tpu.dma_semaphore, #tpu.memory_space<semaphore_mem>>)
    %dma_start3A_91 = arith.constant 160 : i32
    %dma_start3A_92 = tpu.memref_slice %arg6[%dma_start3A_91] : memref<10000xi32, #tpu.memory_space<vmem>> -> memref<80xi32, #tpu.memory_space<vmem>>
    %dma_start3A_93 = arith.constant 0 : i32
    %dma_start3A_94 = arith.constant 0 : i32
    %dma_start3A_95 = tpu.memref_slice %arg2[%dma_start3A_93, %dma_start3A_94] : memref<60000x128xf32, #tpu.memory_space<hbm>> -> memref<60000x128xf32, #tpu.memory_space<hbm>>
    tpu.enqueue_indirect_dma source(%dma_start3A_95 : memref<60000x128xf32, #tpu.memory_space<hbm>>) target(%arg10 : memref<80x128xf32, #tpu.memory_space<vmem>>) offsets(%dma_start3A_92 : memref<80xi32, #tpu.memory_space<vmem>>) semaphore(%arg16 : memref<!tpu.dma_semaphore, #tpu.memory_space<semaphore_mem>>)
    %scan3A_96 = arith.constant 0 : i32
    %scan3A_97 = arith.constant 0 : i32
    %scan3A_98 = arith.constant 41 : i32
    %scan3A_99 = arith.addi %scan3A_97, %scan3A_98 : i32
    %scan3A_100 = arith.constant 1 : i32
    scf.for %scan3A_142 = %scan3A_97 to %scan3A_99 step %scan3A_100  : i32 {
      %mul3A_143 = arith.constant 3 : i32
      %mul3A_144 = arith.muli %mul3A_143, %scan3A_142 : i32
      %add3A_145 = arith.constant 0 : i32
      %add3A_146 = arith.addi %mul3A_144, %add3A_145 : i32
      %mul3A_147 = arith.constant 10000 : i32
      %mul3A_148 = arith.muli %add3A, %mul3A_147 : i32
      %mul3A_149 = arith.constant 80 : i32
      %mul3A_150 = arith.muli %add3A_146, %mul3A_149 : i32
      %add3A_151 = arith.addi %mul3A_148, %mul3A_150 : i32
      %dma_wait3A_152 = arith.constant 0 : i32
      %dma_wait3A_153 = arith.constant 0 : i32
      %dma_wait3A_154 = tpu.memref_slice %arg7[%dma_wait3A_152, %dma_wait3A_153] : memref<3x80xi32, #tpu.memory_space<vmem>> -> memref<1x80xi32, #tpu.memory_space<vmem>>
      %dma_wait3A_155 = tpu.memref_squeeze %dma_wait3A_154 : memref<1x80xi32, #tpu.memory_space<vmem>> -> memref<80xi32, #tpu.memory_space<vmem>>
      %dma_wait3A_156 = tpu.memref_slice %arg4[%add3A_151] : memref<320000xi32, #tpu.memory_space<hbm>> -> memref<80xi32, #tpu.memory_space<hbm>>
      %dma_wait3A_157 = arith.constant 0 : i32
      %dma_wait3A_158 = tpu.memref_slice %arg7[%dma_wait3A_152, %dma_wait3A_157] : memref<3x80xi32, #tpu.memory_space<vmem>> -> memref<1x80xi32, #tpu.memory_space<vmem>>
      %dma_wait3A_159 = tpu.memref_squeeze %dma_wait3A_158 : memref<1x80xi32, #tpu.memory_space<vmem>> -> memref<80xi32, #tpu.memory_space<vmem>>
      %dma_wait3A_160 = tpu.memref_slice %arg4[%add3A_151] : memref<320000xi32, #tpu.memory_space<hbm>> -> memref<80xi32, #tpu.memory_space<hbm>>
      tpu.wait_dma2 semaphore(%arg13 : memref<!tpu.dma_semaphore, #tpu.memory_space<semaphore_mem>>) src(%dma_wait3A_160 : memref<80xi32, #tpu.memory_space<hbm>>) dst(%dma_wait3A_159 : memref<80xi32, #tpu.memory_space<vmem>>)
      %mul3A_161 = arith.constant 80 : i32
      %mul3A_162 = arith.muli %add3A_146, %mul3A_161 : i32
      %dma_wait3A_163 = tpu.memref_slice %arg6[%mul3A_162] : memref<10000xi32, #tpu.memory_space<vmem>> -> memref<80xi32, #tpu.memory_space<vmem>>
      %dma_wait3A_164 = arith.constant 0 : i32
      %dma_wait3A_165 = arith.constant 0 : i32
      %dma_wait3A_166 = tpu.memref_slice %arg2[%dma_wait3A_164, %dma_wait3A_165] : memref<60000x128xf32, #tpu.memory_space<hbm>> -> memref<60000x128xf32, #tpu.memory_space<hbm>>
      tpu.wait_indirect_dma semaphore(%arg14 : memref<!tpu.dma_semaphore, #tpu.memory_space<semaphore_mem>>) src(%dma_wait3A_166 : memref<60000x128xf32, #tpu.memory_space<hbm>>) dst(%arg8 : memref<80x128xf32, #tpu.memory_space<vmem>>)
      %run_scoped3A_167 = arith.constant 0 : i32
      "tpu.region"() ({
        %run_scoped3A_232 = tpu.sem_alloc : memref<!tpu.dma_semaphore, #tpu.memory_space<semaphore_mem>>
        %dma_start3A_233 = arith.constant 0 : i32
        %dma_start3A_234 = tpu.memref_slice %arg7[%run_scoped3A_167, %dma_start3A_233] : memref<3x80xi32, #tpu.memory_space<vmem>> -> memref<1x80xi32, #tpu.memory_space<vmem>>
        %dma_start3A_235 = tpu.memref_squeeze %dma_start3A_234 : memref<1x80xi32, #tpu.memory_space<vmem>> -> memref<80xi32, #tpu.memory_space<vmem>>
        %dma_start3A_236 = arith.constant 0 : i32
        %dma_start3A_237 = arith.constant 0 : i32
        %dma_start3A_238 = tpu.memref_slice %arg11[%dma_start3A_236, %dma_start3A_237] : memref<10240x128xf32, #tpu.memory_space<vmem_shared>> -> memref<10240x128xf32, #tpu.memory_space<vmem_shared>>
        tpu.enqueue_indirect_dma source(%arg8 : memref<80x128xf32, #tpu.memory_space<vmem>>) target(%dma_start3A_238 : memref<10240x128xf32, #tpu.memory_space<vmem_shared>>) offsets(%dma_start3A_235 : memref<80xi32, #tpu.memory_space<vmem>>) semaphore(%run_scoped3A_232 : memref<!tpu.dma_semaphore, #tpu.memory_space<semaphore_mem>>) {add = true}
        %dma_wait3A_239 = arith.constant 0 : i32
        %dma_wait3A_240 = tpu.memref_slice %arg7[%run_scoped3A_167, %dma_wait3A_239] : memref<3x80xi32, #tpu.memory_space<vmem>> -> memref<1x80xi32, #tpu.memory_space<vmem>>
        %dma_wait3A_241 = tpu.memref_squeeze %dma_wait3A_240 : memref<1x80xi32, #tpu.memory_space<vmem>> -> memref<80xi32, #tpu.memory_space<vmem>>
        %dma_wait3A_242 = arith.constant 0 : i32
        %dma_wait3A_243 = arith.constant 0 : i32
        %dma_wait3A_244 = tpu.memref_slice %arg11[%dma_wait3A_242, %dma_wait3A_243] : memref<10240x128xf32, #tpu.memory_space<vmem_shared>> -> memref<10240x128xf32, #tpu.memory_space<vmem_shared>>
        tpu.wait_indirect_dma semaphore(%run_scoped3A_232 : memref<!tpu.dma_semaphore, #tpu.memory_space<semaphore_mem>>) src(%arg8 : memref<80x128xf32, #tpu.memory_space<vmem>>) dst(%dma_wait3A_244 : memref<10240x128xf32, #tpu.memory_space<vmem_shared>>)
        tpu.yield
      }) : () -> ()
      %add3A_168 = arith.constant 3 : i32
      %add3A_169 = arith.addi %add3A_146, %add3A_168 : i32
      %lt3A = arith.constant 125 : i32
      %lt3A_170 = arith.cmpi slt, %add3A_169, %lt3A : i32
      %convert_element_type3A = arith.extui %lt3A_170 : i1 to i32
      %cond3A = arith.constant 0 : i32
      %cond3A_171 = arith.cmpi ne, %convert_element_type3A, %cond3A : i32
      scf.if %cond3A_171 {
        %add3A_232 = arith.constant 3 : i32
        %add3A_233 = arith.addi %add3A_146, %add3A_232 : i32
        %mul3A_234 = arith.constant 10000 : i32
        %mul3A_235 = arith.muli %add3A, %mul3A_234 : i32
        %mul3A_236 = arith.constant 80 : i32
        %mul3A_237 = arith.muli %add3A_233, %mul3A_236 : i32
        %add3A_238 = arith.addi %mul3A_235, %mul3A_237 : i32
        %dma_start3A_239 = arith.constant 0 : i32
        %dma_start3A_240 = arith.constant 0 : i32
        %dma_start3A_241 = tpu.memref_slice %arg7[%dma_start3A_239, %dma_start3A_240] : memref<3x80xi32, #tpu.memory_space<vmem>> -> memref<1x80xi32, #tpu.memory_space<vmem>>
        %dma_start3A_242 = tpu.memref_squeeze %dma_start3A_241 : memref<1x80xi32, #tpu.memory_space<vmem>> -> memref<80xi32, #tpu.memory_space<vmem>>
        %dma_start3A_243 = tpu.memref_slice %arg4[%add3A_238] : memref<320000xi32, #tpu.memory_space<hbm>> -> memref<80xi32, #tpu.memory_space<hbm>>
        %dma_start3A_244 = arith.constant 0 : i32
        %dma_start3A_245 = tpu.memref_slice %arg7[%dma_start3A_239, %dma_start3A_244] : memref<3x80xi32, #tpu.memory_space<vmem>> -> memref<1x80xi32, #tpu.memory_space<vmem>>
        %dma_start3A_246 = tpu.memref_squeeze %dma_start3A_245 : memref<1x80xi32, #tpu.memory_space<vmem>> -> memref<80xi32, #tpu.memory_space<vmem>>
        %dma_start3A_247 = tpu.memref_slice %arg4[%add3A_238] : memref<320000xi32, #tpu.memory_space<hbm>> -> memref<80xi32, #tpu.memory_space<hbm>>
        tpu.enqueue_dma source(%dma_start3A_247 : memref<80xi32, #tpu.memory_space<hbm>>) target(%dma_start3A_246 : memref<80xi32, #tpu.memory_space<vmem>>) target_semaphore(%arg13 : memref<!tpu.dma_semaphore, #tpu.memory_space<semaphore_mem>>)
        %add3A_248 = arith.constant 3 : i32
        %add3A_249 = arith.addi %add3A_146, %add3A_248 : i32
        %mul3A_250 = arith.constant 80 : i32
        %mul3A_251 = arith.muli %add3A_249, %mul3A_250 : i32
        %dma_start3A_252 = tpu.memref_slice %arg6[%mul3A_251] : memref<10000xi32, #tpu.memory_space<vmem>> -> memref<80xi32, #tpu.memory_space<vmem>>
        %dma_start3A_253 = arith.constant 0 : i32
        %dma_start3A_254 = arith.constant 0 : i32
        %dma_start3A_255 = tpu.memref_slice %arg2[%dma_start3A_253, %dma_start3A_254] : memref<60000x128xf32, #tpu.memory_space<hbm>> -> memref<60000x128xf32, #tpu.memory_space<hbm>>
        tpu.enqueue_indirect_dma source(%dma_start3A_255 : memref<60000x128xf32, #tpu.memory_space<hbm>>) target(%arg8 : memref<80x128xf32, #tpu.memory_space<vmem>>) offsets(%dma_start3A_252 : memref<80xi32, #tpu.memory_space<vmem>>) semaphore(%arg14 : memref<!tpu.dma_semaphore, #tpu.memory_space<semaphore_mem>>)
      } else {
      }
      %add3A_172 = arith.constant 1 : i32
      %add3A_173 = arith.addi %mul3A_144, %add3A_172 : i32
      %mul3A_174 = arith.constant 10000 : i32
      %mul3A_175 = arith.muli %add3A, %mul3A_174 : i32
      %mul3A_176 = arith.constant 80 : i32
      %mul3A_177 = arith.muli %add3A_173, %mul3A_176 : i32
      %add3A_178 = arith.addi %mul3A_175, %mul3A_177 : i32
      %dma_wait3A_179 = arith.constant 1 : i32
      %dma_wait3A_180 = arith.constant 0 : i32
      %dma_wait3A_181 = tpu.memref_slice %arg7[%dma_wait3A_179, %dma_wait3A_180] : memref<3x80xi32, #tpu.memory_space<vmem>> -> memref<1x80xi32, #tpu.memory_space<vmem>>
      %dma_wait3A_182 = tpu.memref_squeeze %dma_wait3A_181 : memref<1x80xi32, #tpu.memory_space<vmem>> -> memref<80xi32, #tpu.memory_space<vmem>>
      %dma_wait3A_183 = tpu.memref_slice %arg4[%add3A_178] : memref<320000xi32, #tpu.memory_space<hbm>> -> memref<80xi32, #tpu.memory_space<hbm>>
      %dma_wait3A_184 = arith.constant 0 : i32
      %dma_wait3A_185 = tpu.memref_slice %arg7[%dma_wait3A_179, %dma_wait3A_184] : memref<3x80xi32, #tpu.memory_space<vmem>> -> memref<1x80xi32, #tpu.memory_space<vmem>>
      %dma_wait3A_186 = tpu.memref_squeeze %dma_wait3A_185 : memref<1x80xi32, #tpu.memory_space<vmem>> -> memref<80xi32, #tpu.memory_space<vmem>>
      %dma_wait3A_187 = tpu.memref_slice %arg4[%add3A_178] : memref<320000xi32, #tpu.memory_space<hbm>> -> memref<80xi32, #tpu.memory_space<hbm>>
      tpu.wait_dma2 semaphore(%arg13 : memref<!tpu.dma_semaphore, #tpu.memory_space<semaphore_mem>>) src(%dma_wait3A_187 : memref<80xi32, #tpu.memory_space<hbm>>) dst(%dma_wait3A_186 : memref<80xi32, #tpu.memory_space<vmem>>)
      %mul3A_188 = arith.constant 80 : i32
      %mul3A_189 = arith.muli %add3A_173, %mul3A_188 : i32
      %dma_wait3A_190 = tpu.memref_slice %arg6[%mul3A_189] : memref<10000xi32, #tpu.memory_space<vmem>> -> memref<80xi32, #tpu.memory_space<vmem>>
      %dma_wait3A_191 = arith.constant 0 : i32
      %dma_wait3A_192 = arith.constant 0 : i32
      %dma_wait3A_193 = tpu.memref_slice %arg2[%dma_wait3A_191, %dma_wait3A_192] : memref<60000x128xf32, #tpu.memory_space<hbm>> -> memref<60000x128xf32, #tpu.memory_space<hbm>>
      tpu.wait_indirect_dma semaphore(%arg15 : memref<!tpu.dma_semaphore, #tpu.memory_space<semaphore_mem>>) src(%dma_wait3A_193 : memref<60000x128xf32, #tpu.memory_space<hbm>>) dst(%arg9 : memref<80x128xf32, #tpu.memory_space<vmem>>)
      %run_scoped3A_194 = arith.constant 1 : i32
      "tpu.region"() ({
        %run_scoped3A_232 = tpu.sem_alloc : memref<!tpu.dma_semaphore, #tpu.memory_space<semaphore_mem>>
        %dma_start3A_233 = arith.constant 0 : i32
        %dma_start3A_234 = tpu.memref_slice %arg7[%run_scoped3A_194, %dma_start3A_233] : memref<3x80xi32, #tpu.memory_space<vmem>> -> memref<1x80xi32, #tpu.memory_space<vmem>>
        %dma_start3A_235 = tpu.memref_squeeze %dma_start3A_234 : memref<1x80xi32, #tpu.memory_space<vmem>> -> memref<80xi32, #tpu.memory_space<vmem>>
        %dma_start3A_236 = arith.constant 0 : i32
        %dma_start3A_237 = arith.constant 0 : i32
        %dma_start3A_238 = tpu.memref_slice %arg11[%dma_start3A_236, %dma_start3A_237] : memref<10240x128xf32, #tpu.memory_space<vmem_shared>> -> memref<10240x128xf32, #tpu.memory_space<vmem_shared>>
        tpu.enqueue_indirect_dma source(%arg9 : memref<80x128xf32, #tpu.memory_space<vmem>>) target(%dma_start3A_238 : memref<10240x128xf32, #tpu.memory_space<vmem_shared>>) offsets(%dma_start3A_235 : memref<80xi32, #tpu.memory_space<vmem>>) semaphore(%run_scoped3A_232 : memref<!tpu.dma_semaphore, #tpu.memory_space<semaphore_mem>>) {add = true}
        %dma_wait3A_239 = arith.constant 0 : i32
        %dma_wait3A_240 = tpu.memref_slice %arg7[%run_scoped3A_194, %dma_wait3A_239] : memref<3x80xi32, #tpu.memory_space<vmem>> -> memref<1x80xi32, #tpu.memory_space<vmem>>
        %dma_wait3A_241 = tpu.memref_squeeze %dma_wait3A_240 : memref<1x80xi32, #tpu.memory_space<vmem>> -> memref<80xi32, #tpu.memory_space<vmem>>
        %dma_wait3A_242 = arith.constant 0 : i32
        %dma_wait3A_243 = arith.constant 0 : i32
        %dma_wait3A_244 = tpu.memref_slice %arg11[%dma_wait3A_242, %dma_wait3A_243] : memref<10240x128xf32, #tpu.memory_space<vmem_shared>> -> memref<10240x128xf32, #tpu.memory_space<vmem_shared>>
        tpu.wait_indirect_dma semaphore(%run_scoped3A_232 : memref<!tpu.dma_semaphore, #tpu.memory_space<semaphore_mem>>) src(%arg9 : memref<80x128xf32, #tpu.memory_space<vmem>>) dst(%dma_wait3A_244 : memref<10240x128xf32, #tpu.memory_space<vmem_shared>>)
        tpu.yield
      }) : () -> ()
      %add3A_195 = arith.constant 3 : i32
      %add3A_196 = arith.addi %add3A_173, %add3A_195 : i32
      %lt3A_197 = arith.constant 125 : i32
      %lt3A_198 = arith.cmpi slt, %add3A_196, %lt3A_197 : i32
      %convert_element_type3A_199 = arith.extui %lt3A_198 : i1 to i32
      %cond3A_200 = arith.constant 0 : i32
      %cond3A_201 = arith.cmpi ne, %convert_element_type3A_199, %cond3A_200 : i32
      scf.if %cond3A_201 {
        %add3A_232 = arith.constant 3 : i32
        %add3A_233 = arith.addi %add3A_173, %add3A_232 : i32
        %mul3A_234 = arith.constant 10000 : i32
        %mul3A_235 = arith.muli %add3A, %mul3A_234 : i32
        %mul3A_236 = arith.constant 80 : i32
        %mul3A_237 = arith.muli %add3A_233, %mul3A_236 : i32
        %add3A_238 = arith.addi %mul3A_235, %mul3A_237 : i32
        %dma_start3A_239 = arith.constant 1 : i32
        %dma_start3A_240 = arith.constant 0 : i32
        %dma_start3A_241 = tpu.memref_slice %arg7[%dma_start3A_239, %dma_start3A_240] : memref<3x80xi32, #tpu.memory_space<vmem>> -> memref<1x80xi32, #tpu.memory_space<vmem>>
        %dma_start3A_242 = tpu.memref_squeeze %dma_start3A_241 : memref<1x80xi32, #tpu.memory_space<vmem>> -> memref<80xi32, #tpu.memory_space<vmem>>
        %dma_start3A_243 = tpu.memref_slice %arg4[%add3A_238] : memref<320000xi32, #tpu.memory_space<hbm>> -> memref<80xi32, #tpu.memory_space<hbm>>
        %dma_start3A_244 = arith.constant 0 : i32
        %dma_start3A_245 = tpu.memref_slice %arg7[%dma_start3A_239, %dma_start3A_244] : memref<3x80xi32, #tpu.memory_space<vmem>> -> memref<1x80xi32, #tpu.memory_space<vmem>>
        %dma_start3A_246 = tpu.memref_squeeze %dma_start3A_245 : memref<1x80xi32, #tpu.memory_space<vmem>> -> memref<80xi32, #tpu.memory_space<vmem>>
        %dma_start3A_247 = tpu.memref_slice %arg4[%add3A_238] : memref<320000xi32, #tpu.memory_space<hbm>> -> memref<80xi32, #tpu.memory_space<hbm>>
        tpu.enqueue_dma source(%dma_start3A_247 : memref<80xi32, #tpu.memory_space<hbm>>) target(%dma_start3A_246 : memref<80xi32, #tpu.memory_space<vmem>>) target_semaphore(%arg13 : memref<!tpu.dma_semaphore, #tpu.memory_space<semaphore_mem>>)
        %add3A_248 = arith.constant 3 : i32
        %add3A_249 = arith.addi %add3A_173, %add3A_248 : i32
        %mul3A_250 = arith.constant 80 : i32
        %mul3A_251 = arith.muli %add3A_249, %mul3A_250 : i32
        %dma_start3A_252 = tpu.memref_slice %arg6[%mul3A_251] : memref<10000xi32, #tpu.memory_space<vmem>> -> memref<80xi32, #tpu.memory_space<vmem>>
        %dma_start3A_253 = arith.constant 0 : i32
        %dma_start3A_254 = arith.constant 0 : i32
        %dma_start3A_255 = tpu.memref_slice %arg2[%dma_start3A_253, %dma_start3A_254] : memref<60000x128xf32, #tpu.memory_space<hbm>> -> memref<60000x128xf32, #tpu.memory_space<hbm>>
        tpu.enqueue_indirect_dma source(%dma_start3A_255 : memref<60000x128xf32, #tpu.memory_space<hbm>>) target(%arg9 : memref<80x128xf32, #tpu.memory_space<vmem>>) offsets(%dma_start3A_252 : memref<80xi32, #tpu.memory_space<vmem>>) semaphore(%arg15 : memref<!tpu.dma_semaphore, #tpu.memory_space<semaphore_mem>>)
      } else {
      }
      %add3A_202 = arith.constant 2 : i32
      %add3A_203 = arith.addi %mul3A_144, %add3A_202 : i32
      %mul3A_204 = arith.constant 10000 : i32
      %mul3A_205 = arith.muli %add3A, %mul3A_204 : i32
      %mul3A_206 = arith.constant 80 : i32
      %mul3A_207 = arith.muli %add3A_203, %mul3A_206 : i32
      %add3A_208 = arith.addi %mul3A_205, %mul3A_207 : i32
      %dma_wait3A_209 = arith.constant 2 : i32
      %dma_wait3A_210 = arith.constant 0 : i32
      %dma_wait3A_211 = tpu.memref_slice %arg7[%dma_wait3A_209, %dma_wait3A_210] : memref<3x80xi32, #tpu.memory_space<vmem>> -> memref<1x80xi32, #tpu.memory_space<vmem>>
      %dma_wait3A_212 = tpu.memref_squeeze %dma_wait3A_211 : memref<1x80xi32, #tpu.memory_space<vmem>> -> memref<80xi32, #tpu.memory_space<vmem>>
      %dma_wait3A_213 = tpu.memref_slice %arg4[%add3A_208] : memref<320000xi32, #tpu.memory_space<hbm>> -> memref<80xi32, #tpu.memory_space<hbm>>
      %dma_wait3A_214 = arith.constant 0 : i32
      %dma_wait3A_215 = tpu.memref_slice %arg7[%dma_wait3A_209, %dma_wait3A_214] : memref<3x80xi32, #tpu.memory_space<vmem>> -> memref<1x80xi32, #tpu.memory_space<vmem>>
      %dma_wait3A_216 = tpu.memref_squeeze %dma_wait3A_215 : memref<1x80xi32, #tpu.memory_space<vmem>> -> memref<80xi32, #tpu.memory_space<vmem>>
      %dma_wait3A_217 = tpu.memref_slice %arg4[%add3A_208] : memref<320000xi32, #tpu.memory_space<hbm>> -> memref<80xi32, #tpu.memory_space<hbm>>
      tpu.wait_dma2 semaphore(%arg13 : memref<!tpu.dma_semaphore, #tpu.memory_space<semaphore_mem>>) src(%dma_wait3A_217 : memref<80xi32, #tpu.memory_space<hbm>>) dst(%dma_wait3A_216 : memref<80xi32, #tpu.memory_space<vmem>>)
      %mul3A_218 = arith.constant 80 : i32
      %mul3A_219 = arith.muli %add3A_203, %mul3A_218 : i32
      %dma_wait3A_220 = tpu.memref_slice %arg6[%mul3A_219] : memref<10000xi32, #tpu.memory_space<vmem>> -> memref<80xi32, #tpu.memory_space<vmem>>
      %dma_wait3A_221 = arith.constant 0 : i32
      %dma_wait3A_222 = arith.constant 0 : i32
      %dma_wait3A_223 = tpu.memref_slice %arg2[%dma_wait3A_221, %dma_wait3A_222] : memref<60000x128xf32, #tpu.memory_space<hbm>> -> memref<60000x128xf32, #tpu.memory_space<hbm>>
      tpu.wait_indirect_dma semaphore(%arg16 : memref<!tpu.dma_semaphore, #tpu.memory_space<semaphore_mem>>) src(%dma_wait3A_223 : memref<60000x128xf32, #tpu.memory_space<hbm>>) dst(%arg10 : memref<80x128xf32, #tpu.memory_space<vmem>>)
      %run_scoped3A_224 = arith.constant 2 : i32
      "tpu.region"() ({
        %run_scoped3A_232 = tpu.sem_alloc : memref<!tpu.dma_semaphore, #tpu.memory_space<semaphore_mem>>
        %dma_start3A_233 = arith.constant 0 : i32
        %dma_start3A_234 = tpu.memref_slice %arg7[%run_scoped3A_224, %dma_start3A_233] : memref<3x80xi32, #tpu.memory_space<vmem>> -> memref<1x80xi32, #tpu.memory_space<vmem>>
        %dma_start3A_235 = tpu.memref_squeeze %dma_start3A_234 : memref<1x80xi32, #tpu.memory_space<vmem>> -> memref<80xi32, #tpu.memory_space<vmem>>
        %dma_start3A_236 = arith.constant 0 : i32
        %dma_start3A_237 = arith.constant 0 : i32
        %dma_start3A_238 = tpu.memref_slice %arg11[%dma_start3A_236, %dma_start3A_237] : memref<10240x128xf32, #tpu.memory_space<vmem_shared>> -> memref<10240x128xf32, #tpu.memory_space<vmem_shared>>
        tpu.enqueue_indirect_dma source(%arg10 : memref<80x128xf32, #tpu.memory_space<vmem>>) target(%dma_start3A_238 : memref<10240x128xf32, #tpu.memory_space<vmem_shared>>) offsets(%dma_start3A_235 : memref<80xi32, #tpu.memory_space<vmem>>) semaphore(%run_scoped3A_232 : memref<!tpu.dma_semaphore, #tpu.memory_space<semaphore_mem>>) {add = true}
        %dma_wait3A_239 = arith.constant 0 : i32
        %dma_wait3A_240 = tpu.memref_slice %arg7[%run_scoped3A_224, %dma_wait3A_239] : memref<3x80xi32, #tpu.memory_space<vmem>> -> memref<1x80xi32, #tpu.memory_space<vmem>>
        %dma_wait3A_241 = tpu.memref_squeeze %dma_wait3A_240 : memref<1x80xi32, #tpu.memory_space<vmem>> -> memref<80xi32, #tpu.memory_space<vmem>>
        %dma_wait3A_242 = arith.constant 0 : i32
        %dma_wait3A_243 = arith.constant 0 : i32
        %dma_wait3A_244 = tpu.memref_slice %arg11[%dma_wait3A_242, %dma_wait3A_243] : memref<10240x128xf32, #tpu.memory_space<vmem_shared>> -> memref<10240x128xf32, #tpu.memory_space<vmem_shared>>
        tpu.wait_indirect_dma semaphore(%run_scoped3A_232 : memref<!tpu.dma_semaphore, #tpu.memory_space<semaphore_mem>>) src(%arg10 : memref<80x128xf32, #tpu.memory_space<vmem>>) dst(%dma_wait3A_244 : memref<10240x128xf32, #tpu.memory_space<vmem_shared>>)
        tpu.yield
      }) : () -> ()
      %add3A_225 = arith.constant 3 : i32
      %add3A_226 = arith.addi %add3A_203, %add3A_225 : i32
      %lt3A_227 = arith.constant 125 : i32
      %lt3A_228 = arith.cmpi slt, %add3A_226, %lt3A_227 : i32
      %convert_element_type3A_229 = arith.extui %lt3A_228 : i1 to i32
      %cond3A_230 = arith.constant 0 : i32
      %cond3A_231 = arith.cmpi ne, %convert_element_type3A_229, %cond3A_230 : i32
      scf.if %cond3A_231 {
        %add3A_232 = arith.constant 3 : i32
        %add3A_233 = arith.addi %add3A_203, %add3A_232 : i32
        %mul3A_234 = arith.constant 10000 : i32
        %mul3A_235 = arith.muli %add3A, %mul3A_234 : i32
        %mul3A_236 = arith.constant 80 : i32
        %mul3A_237 = arith.muli %add3A_233, %mul3A_236 : i32
        %add3A_238 = arith.addi %mul3A_235, %mul3A_237 : i32
        %dma_start3A_239 = arith.constant 2 : i32
        %dma_start3A_240 = arith.constant 0 : i32
        %dma_start3A_241 = tpu.memref_slice %arg7[%dma_start3A_239, %dma_start3A_240] : memref<3x80xi32, #tpu.memory_space<vmem>> -> memref<1x80xi32, #tpu.memory_space<vmem>>
        %dma_start3A_242 = tpu.memref_squeeze %dma_start3A_241 : memref<1x80xi32, #tpu.memory_space<vmem>> -> memref<80xi32, #tpu.memory_space<vmem>>
        %dma_start3A_243 = tpu.memref_slice %arg4[%add3A_238] : memref<320000xi32, #tpu.memory_space<hbm>> -> memref<80xi32, #tpu.memory_space<hbm>>
        %dma_start3A_244 = arith.constant 0 : i32
        %dma_start3A_245 = tpu.memref_slice %arg7[%dma_start3A_239, %dma_start3A_244] : memref<3x80xi32, #tpu.memory_space<vmem>> -> memref<1x80xi32, #tpu.memory_space<vmem>>
        %dma_start3A_246 = tpu.memref_squeeze %dma_start3A_245 : memref<1x80xi32, #tpu.memory_space<vmem>> -> memref<80xi32, #tpu.memory_space<vmem>>
        %dma_start3A_247 = tpu.memref_slice %arg4[%add3A_238] : memref<320000xi32, #tpu.memory_space<hbm>> -> memref<80xi32, #tpu.memory_space<hbm>>
        tpu.enqueue_dma source(%dma_start3A_247 : memref<80xi32, #tpu.memory_space<hbm>>) target(%dma_start3A_246 : memref<80xi32, #tpu.memory_space<vmem>>) target_semaphore(%arg13 : memref<!tpu.dma_semaphore, #tpu.memory_space<semaphore_mem>>)
        %add3A_248 = arith.constant 3 : i32
        %add3A_249 = arith.addi %add3A_203, %add3A_248 : i32
        %mul3A_250 = arith.constant 80 : i32
        %mul3A_251 = arith.muli %add3A_249, %mul3A_250 : i32
        %dma_start3A_252 = tpu.memref_slice %arg6[%mul3A_251] : memref<10000xi32, #tpu.memory_space<vmem>> -> memref<80xi32, #tpu.memory_space<vmem>>
        %dma_start3A_253 = arith.constant 0 : i32
        %dma_start3A_254 = arith.constant 0 : i32
        %dma_start3A_255 = tpu.memref_slice %arg2[%dma_start3A_253, %dma_start3A_254] : memref<60000x128xf32, #tpu.memory_space<hbm>> -> memref<60000x128xf32, #tpu.memory_space<hbm>>
        tpu.enqueue_indirect_dma source(%dma_start3A_255 : memref<60000x128xf32, #tpu.memory_space<hbm>>) target(%arg10 : memref<80x128xf32, #tpu.memory_space<vmem>>) offsets(%dma_start3A_252 : memref<80xi32, #tpu.memory_space<vmem>>) semaphore(%arg16 : memref<!tpu.dma_semaphore, #tpu.memory_space<semaphore_mem>>)
      } else {
      }
    }
    %scan3A_101 = arith.constant 41 : i32
    %mul3A_102 = arith.constant 10000 : i32
    %mul3A_103 = arith.muli %add3A, %mul3A_102 : i32
    %add3A_104 = arith.constant 9840 : i32
    %add3A_105 = arith.addi %mul3A_103, %add3A_104 : i32
    %dma_wait3A_106 = arith.constant 0 : i32
    %dma_wait3A_107 = arith.constant 0 : i32
    %dma_wait3A_108 = tpu.memref_slice %arg7[%dma_wait3A_106, %dma_wait3A_107] : memref<3x80xi32, #tpu.memory_space<vmem>> -> memref<1x80xi32, #tpu.memory_space<vmem>>
    %dma_wait3A_109 = tpu.memref_squeeze %dma_wait3A_108 : memref<1x80xi32, #tpu.memory_space<vmem>> -> memref<80xi32, #tpu.memory_space<vmem>>
    %dma_wait3A_110 = tpu.memref_slice %arg4[%add3A_105] : memref<320000xi32, #tpu.memory_space<hbm>> -> memref<80xi32, #tpu.memory_space<hbm>>
    %dma_wait3A_111 = arith.constant 0 : i32
    %dma_wait3A_112 = tpu.memref_slice %arg7[%dma_wait3A_106, %dma_wait3A_111] : memref<3x80xi32, #tpu.memory_space<vmem>> -> memref<1x80xi32, #tpu.memory_space<vmem>>
    %dma_wait3A_113 = tpu.memref_squeeze %dma_wait3A_112 : memref<1x80xi32, #tpu.memory_space<vmem>> -> memref<80xi32, #tpu.memory_space<vmem>>
    %dma_wait3A_114 = tpu.memref_slice %arg4[%add3A_105] : memref<320000xi32, #tpu.memory_space<hbm>> -> memref<80xi32, #tpu.memory_space<hbm>>
    tpu.wait_dma2 semaphore(%arg13 : memref<!tpu.dma_semaphore, #tpu.memory_space<semaphore_mem>>) src(%dma_wait3A_114 : memref<80xi32, #tpu.memory_space<hbm>>) dst(%dma_wait3A_113 : memref<80xi32, #tpu.memory_space<vmem>>)
    %dma_wait3A_115 = arith.constant 9840 : i32
    %dma_wait3A_116 = tpu.memref_slice %arg6[%dma_wait3A_115] : memref<10000xi32, #tpu.memory_space<vmem>> -> memref<80xi32, #tpu.memory_space<vmem>>
    %dma_wait3A_117 = arith.constant 0 : i32
    %dma_wait3A_118 = arith.constant 0 : i32
    %dma_wait3A_119 = tpu.memref_slice %arg2[%dma_wait3A_117, %dma_wait3A_118] : memref<60000x128xf32, #tpu.memory_space<hbm>> -> memref<60000x128xf32, #tpu.memory_space<hbm>>
    tpu.wait_indirect_dma semaphore(%arg14 : memref<!tpu.dma_semaphore, #tpu.memory_space<semaphore_mem>>) src(%dma_wait3A_119 : memref<60000x128xf32, #tpu.memory_space<hbm>>) dst(%arg8 : memref<80x128xf32, #tpu.memory_space<vmem>>)
    %run_scoped3A = arith.constant 0 : i32
    "tpu.region"() ({
      %run_scoped3A_142 = tpu.sem_alloc : memref<!tpu.dma_semaphore, #tpu.memory_space<semaphore_mem>>
      %dma_start3A_143 = arith.constant 0 : i32
      %dma_start3A_144 = tpu.memref_slice %arg7[%run_scoped3A, %dma_start3A_143] : memref<3x80xi32, #tpu.memory_space<vmem>> -> memref<1x80xi32, #tpu.memory_space<vmem>>
      %dma_start3A_145 = tpu.memref_squeeze %dma_start3A_144 : memref<1x80xi32, #tpu.memory_space<vmem>> -> memref<80xi32, #tpu.memory_space<vmem>>
      %dma_start3A_146 = arith.constant 0 : i32
      %dma_start3A_147 = arith.constant 0 : i32
      %dma_start3A_148 = tpu.memref_slice %arg11[%dma_start3A_146, %dma_start3A_147] : memref<10240x128xf32, #tpu.memory_space<vmem_shared>> -> memref<10240x128xf32, #tpu.memory_space<vmem_shared>>
      tpu.enqueue_indirect_dma source(%arg8 : memref<80x128xf32, #tpu.memory_space<vmem>>) target(%dma_start3A_148 : memref<10240x128xf32, #tpu.memory_space<vmem_shared>>) offsets(%dma_start3A_145 : memref<80xi32, #tpu.memory_space<vmem>>) semaphore(%run_scoped3A_142 : memref<!tpu.dma_semaphore, #tpu.memory_space<semaphore_mem>>) {add = true}
      %dma_wait3A_149 = arith.constant 0 : i32
      %dma_wait3A_150 = tpu.memref_slice %arg7[%run_scoped3A, %dma_wait3A_149] : memref<3x80xi32, #tpu.memory_space<vmem>> -> memref<1x80xi32, #tpu.memory_space<vmem>>
      %dma_wait3A_151 = tpu.memref_squeeze %dma_wait3A_150 : memref<1x80xi32, #tpu.memory_space<vmem>> -> memref<80xi32, #tpu.memory_space<vmem>>
      %dma_wait3A_152 = arith.constant 0 : i32
      %dma_wait3A_153 = arith.constant 0 : i32
      %dma_wait3A_154 = tpu.memref_slice %arg11[%dma_wait3A_152, %dma_wait3A_153] : memref<10240x128xf32, #tpu.memory_space<vmem_shared>> -> memref<10240x128xf32, #tpu.memory_space<vmem_shared>>
      tpu.wait_indirect_dma semaphore(%run_scoped3A_142 : memref<!tpu.dma_semaphore, #tpu.memory_space<semaphore_mem>>) src(%arg8 : memref<80x128xf32, #tpu.memory_space<vmem>>) dst(%dma_wait3A_154 : memref<10240x128xf32, #tpu.memory_space<vmem_shared>>)
      tpu.yield
    }) : () -> ()
    %mul3A_120 = arith.constant 10000 : i32
    %mul3A_121 = arith.muli %add3A, %mul3A_120 : i32
    %add3A_122 = arith.constant 9920 : i32
    %add3A_123 = arith.addi %mul3A_121, %add3A_122 : i32
    %dma_wait3A_124 = arith.constant 1 : i32
    %dma_wait3A_125 = arith.constant 0 : i32
    %dma_wait3A_126 = tpu.memref_slice %arg7[%dma_wait3A_124, %dma_wait3A_125] : memref<3x80xi32, #tpu.memory_space<vmem>> -> memref<1x80xi32, #tpu.memory_space<vmem>>
    %dma_wait3A_127 = tpu.memref_squeeze %dma_wait3A_126 : memref<1x80xi32, #tpu.memory_space<vmem>> -> memref<80xi32, #tpu.memory_space<vmem>>
    %dma_wait3A_128 = tpu.memref_slice %arg4[%add3A_123] : memref<320000xi32, #tpu.memory_space<hbm>> -> memref<80xi32, #tpu.memory_space<hbm>>
    %dma_wait3A_129 = arith.constant 0 : i32
    %dma_wait3A_130 = tpu.memref_slice %arg7[%dma_wait3A_124, %dma_wait3A_129] : memref<3x80xi32, #tpu.memory_space<vmem>> -> memref<1x80xi32, #tpu.memory_space<vmem>>
    %dma_wait3A_131 = tpu.memref_squeeze %dma_wait3A_130 : memref<1x80xi32, #tpu.memory_space<vmem>> -> memref<80xi32, #tpu.memory_space<vmem>>
    %dma_wait3A_132 = tpu.memref_slice %arg4[%add3A_123] : memref<320000xi32, #tpu.memory_space<hbm>> -> memref<80xi32, #tpu.memory_space<hbm>>
    tpu.wait_dma2 semaphore(%arg13 : memref<!tpu.dma_semaphore, #tpu.memory_space<semaphore_mem>>) src(%dma_wait3A_132 : memref<80xi32, #tpu.memory_space<hbm>>) dst(%dma_wait3A_131 : memref<80xi32, #tpu.memory_space<vmem>>)
    %dma_wait3A_133 = arith.constant 9920 : i32
    %dma_wait3A_134 = tpu.memref_slice %arg6[%dma_wait3A_133] : memref<10000xi32, #tpu.memory_space<vmem>> -> memref<80xi32, #tpu.memory_space<vmem>>
    %dma_wait3A_135 = arith.constant 0 : i32
    %dma_wait3A_136 = arith.constant 0 : i32
    %dma_wait3A_137 = tpu.memref_slice %arg2[%dma_wait3A_135, %dma_wait3A_136] : memref<60000x128xf32, #tpu.memory_space<hbm>> -> memref<60000x128xf32, #tpu.memory_space<hbm>>
    tpu.wait_indirect_dma semaphore(%arg15 : memref<!tpu.dma_semaphore, #tpu.memory_space<semaphore_mem>>) src(%dma_wait3A_137 : memref<60000x128xf32, #tpu.memory_space<hbm>>) dst(%arg9 : memref<80x128xf32, #tpu.memory_space<vmem>>)
    %run_scoped3A_138 = arith.constant 1 : i32
    "tpu.region"() ({
      %run_scoped3A_142 = tpu.sem_alloc : memref<!tpu.dma_semaphore, #tpu.memory_space<semaphore_mem>>
      %dma_start3A_143 = arith.constant 0 : i32
      %dma_start3A_144 = tpu.memref_slice %arg7[%run_scoped3A_138, %dma_start3A_143] : memref<3x80xi32, #tpu.memory_space<vmem>> -> memref<1x80xi32, #tpu.memory_space<vmem>>
      %dma_start3A_145 = tpu.memref_squeeze %dma_start3A_144 : memref<1x80xi32, #tpu.memory_space<vmem>> -> memref<80xi32, #tpu.memory_space<vmem>>
      %dma_start3A_146 = arith.constant 0 : i32
      %dma_start3A_147 = arith.constant 0 : i32
      %dma_start3A_148 = tpu.memref_slice %arg11[%dma_start3A_146, %dma_start3A_147] : memref<10240x128xf32, #tpu.memory_space<vmem_shared>> -> memref<10240x128xf32, #tpu.memory_space<vmem_shared>>
      tpu.enqueue_indirect_dma source(%arg9 : memref<80x128xf32, #tpu.memory_space<vmem>>) target(%dma_start3A_148 : memref<10240x128xf32, #tpu.memory_space<vmem_shared>>) offsets(%dma_start3A_145 : memref<80xi32, #tpu.memory_space<vmem>>) semaphore(%run_scoped3A_142 : memref<!tpu.dma_semaphore, #tpu.memory_space<semaphore_mem>>) {add = true}
      %dma_wait3A_149 = arith.constant 0 : i32
      %dma_wait3A_150 = tpu.memref_slice %arg7[%run_scoped3A_138, %dma_wait3A_149] : memref<3x80xi32, #tpu.memory_space<vmem>> -> memref<1x80xi32, #tpu.memory_space<vmem>>
      %dma_wait3A_151 = tpu.memref_squeeze %dma_wait3A_150 : memref<1x80xi32, #tpu.memory_space<vmem>> -> memref<80xi32, #tpu.memory_space<vmem>>
      %dma_wait3A_152 = arith.constant 0 : i32
      %dma_wait3A_153 = arith.constant 0 : i32
      %dma_wait3A_154 = tpu.memref_slice %arg11[%dma_wait3A_152, %dma_wait3A_153] : memref<10240x128xf32, #tpu.memory_space<vmem_shared>> -> memref<10240x128xf32, #tpu.memory_space<vmem_shared>>
      tpu.wait_indirect_dma semaphore(%run_scoped3A_142 : memref<!tpu.dma_semaphore, #tpu.memory_space<semaphore_mem>>) src(%arg9 : memref<80x128xf32, #tpu.memory_space<vmem>>) dst(%dma_wait3A_154 : memref<10240x128xf32, #tpu.memory_space<vmem_shared>>)
      tpu.yield
    }) : () -> ()
    %barrier3A_139 = arith.constant 0 : index
    tpu.barrier barrier_id(%barrier3A_139)
    %mul3A_140 = arith.constant 640 : i32
    %mul3A_141 = arith.muli %arg1, %mul3A_140 : i32
    "tpu.region"() ({
      %run_scoped3A_142 = tpu.sem_alloc : memref<!tpu.dma_semaphore, #tpu.memory_space<semaphore_mem>>
      %dma_start3A_143 = arith.constant 0 : i32
      %dma_start3A_144 = tpu.memref_slice %arg5[%arg0, %mul3A_141, %dma_start3A_143] : memref<2x10240x128xf32, #tpu.memory_space<hbm>> -> memref<1x640x128xf32, #tpu.memory_space<hbm>>
      %dma_start3A_145 = tpu.memref_squeeze %dma_start3A_144 : memref<1x640x128xf32, #tpu.memory_space<hbm>> -> memref<640x128xf32, #tpu.memory_space<hbm>>
      %dma_start3A_146 = arith.constant 0 : i32
      %dma_start3A_147 = tpu.memref_slice %arg11[%mul3A_141, %dma_start3A_146] : memref<10240x128xf32, #tpu.memory_space<vmem_shared>> -> memref<640x128xf32, #tpu.memory_space<vmem_shared>>
      tpu.enqueue_dma source(%dma_start3A_147 : memref<640x128xf32, #tpu.memory_space<vmem_shared>>) target(%dma_start3A_145 : memref<640x128xf32, #tpu.memory_space<hbm>>) target_semaphore(%run_scoped3A_142 : memref<!tpu.dma_semaphore, #tpu.memory_space<semaphore_mem>>)
      %dma_wait3A_148 = arith.constant 0 : i32
      %dma_wait3A_149 = tpu.memref_slice %arg5[%arg0, %mul3A_141, %dma_wait3A_148] : memref<2x10240x128xf32, #tpu.memory_space<hbm>> -> memref<1x640x128xf32, #tpu.memory_space<hbm>>
      %dma_wait3A_150 = tpu.memref_squeeze %dma_wait3A_149 : memref<1x640x128xf32, #tpu.memory_space<hbm>> -> memref<640x128xf32, #tpu.memory_space<hbm>>
      %dma_wait3A_151 = arith.constant 0 : i32
      %dma_wait3A_152 = tpu.memref_slice %arg11[%mul3A_141, %dma_wait3A_151] : memref<10240x128xf32, #tpu.memory_space<vmem_shared>> -> memref<640x128xf32, #tpu.memory_space<vmem_shared>>
      tpu.wait_dma2 semaphore(%run_scoped3A_142 : memref<!tpu.dma_semaphore, #tpu.memory_space<semaphore_mem>>) src(%dma_wait3A_152 : memref<640x128xf32, #tpu.memory_space<vmem_shared>>) dst(%dma_wait3A_150 : memref<640x128xf32, #tpu.memory_space<hbm>>)
      tpu.yield
    }) : () -> ()
    return
  }
}

module attributes {stable_mosaic.version = 14 : i64} {
  func.func @_xg_body(%arg0: i32, %arg1: memref<1000x128xf32, #tpu.memory_space<vmem>>, %arg2: memref<128x384xf32, #tpu.memory_space<vmem>>, %arg3: memref<1x384xf32, #tpu.memory_space<vmem>>, %arg4: memref<1000x384xf32, #tpu.memory_space<vmem>>) attributes {dimension_semantics = [#tpu.dimension_semantics<arbitrary>], iteration_bounds = array<i64: 10>, scalar_prefetch = 0 : i64, scratch_operands = 0 : i64, tpu.core_type = #tpu.core_type<tc>, window_params = [{transform_indices = @transform_0, window_bounds = array<i64: 1000, 128>}, {pipeline_mode = #tpu.pipeline_mode<synchronous>, transform_indices = @transform_1, window_bounds = array<i64: 128, 384>}, {pipeline_mode = #tpu.pipeline_mode<synchronous>, transform_indices = @transform_2, window_bounds = array<i64: 1, 384>}, {transform_indices = @transform_3, window_bounds = array<i64: 1000, 384>}]} {
    %get3A = arith.constant 0 : index
    %get3A_0 = arith.constant 0 : index
    %get3A_1 = vector.load %arg1[%get3A, %get3A_0] : memref<1000x128xf32, #tpu.memory_space<vmem>>, vector<1000x128xf32>
    %get3A_2 = arith.constant 0 : index
    %get3A_3 = arith.constant 0 : index
    %get3A_4 = vector.load %arg2[%get3A_2, %get3A_3] : memref<128x384xf32, #tpu.memory_space<vmem>>, vector<128x384xf32>
    %dot_general3A = arith.constant dense<0.000000e+00> : vector<1000x384xf32>
    %dot_general3A_5 = tpu.matmul %get3A_1, %get3A_4, %dot_general3A {dimension_numbers = #tpu.dot_dimension_numbers<[1], [0], [0], [1], [0, 0, 1, 1], [], []>, transpose_lhs_hint = false} : vector<1000x128xf32>, vector<128x384xf32>, vector<1000x384xf32> -> vector<1000x384xf32>
    %get3A_6 = arith.constant 0 : index
    %get3A_7 = arith.constant 0 : index
    %get3A_8 = vector.load %arg3[%get3A_6, %get3A_7] : memref<1x384xf32, #tpu.memory_space<vmem>>, vector<1x384xf32>
    %add3A = vector.broadcast %get3A_8 : vector<1x384xf32> to vector<1000x384xf32>
    %add3A_9 = arith.addf %dot_general3A_5, %add3A : vector<1000x384xf32>
    %swap3A = arith.constant 0 : index
    %swap3A_10 = arith.constant 0 : index
    %swap3A_11 = vector.load %arg4[%swap3A, %swap3A_10] : memref<1000x384xf32, #tpu.memory_space<vmem>>, vector<1000x384xf32>
    tpu.vector_store %arg4[%swap3A, %swap3A_10], %add3A_9 {strides = array<i32>} : memref<1000x384xf32, #tpu.memory_space<vmem>>, vector<1000x384xf32>,
    return
  }
  func.func @transform_0(%arg0: i32) -> (i32, i32) {
    %c0_i32 = arith.constant 0 : i32
    %c0_i32_0 = arith.constant 0 : i32
    return %arg0, %c0_i32 : i32, i32
  }
  func.func @transform_1(%arg0: i32) -> (i32, i32) {
    %c0_i32 = arith.constant 0 : i32
    %c0_i32_0 = arith.constant 0 : i32
    %c0_i32_1 = arith.constant 0 : i32
    return %c0_i32, %c0_i32_0 : i32, i32
  }
  func.func @transform_2(%arg0: i32) -> (i32, i32) {
    %c0_i32 = arith.constant 0 : i32
    %c0_i32_0 = arith.constant 0 : i32
    %c0_i32_1 = arith.constant 0 : i32
    return %c0_i32, %c0_i32_0 : i32, i32
  }
  func.func @transform_3(%arg0: i32) -> (i32, i32) {
    %c0_i32 = arith.constant 0 : i32
    %c0_i32_0 = arith.constant 0 : i32
    return %arg0, %c0_i32 : i32, i32
  }
}

module attributes {stable_mosaic.version = 14 : i64} {
  func.func @_edge_dense_body(%arg0: i32, %arg1: memref<1000x128xf32, #tpu.memory_space<vmem>>, %arg2: memref<128x768xf32, #tpu.memory_space<vmem>>, %arg3: memref<1x768xf32, #tpu.memory_space<vmem>>, %arg4: memref<6x1000x128xf32, #tpu.memory_space<vmem>>) attributes {dimension_semantics = [#tpu.dimension_semantics<arbitrary>], iteration_bounds = array<i64: 10>, scalar_prefetch = 0 : i64, scratch_operands = 0 : i64, tpu.core_type = #tpu.core_type<tc>, window_params = [{transform_indices = @transform_0, window_bounds = array<i64: 1000, 128>}, {pipeline_mode = #tpu.pipeline_mode<synchronous>, transform_indices = @transform_1, window_bounds = array<i64: 128, 768>}, {pipeline_mode = #tpu.pipeline_mode<synchronous>, transform_indices = @transform_2, window_bounds = array<i64: 1, 768>}, {transform_indices = @transform_3, window_bounds = array<i64: 6, 1000, 128>}]} {
    %get3A = arith.constant 0 : index
    %get3A_0 = arith.constant 0 : index
    %get3A_1 = vector.load %arg1[%get3A, %get3A_0] : memref<1000x128xf32, #tpu.memory_space<vmem>>, vector<1000x128xf32>
    %get3A_2 = arith.constant 0 : index
    %get3A_3 = arith.constant 0 : index
    %get3A_4 = vector.load %arg2[%get3A_2, %get3A_3] : memref<128x768xf32, #tpu.memory_space<vmem>>, vector<128x768xf32>
    %dot_general3A = arith.constant dense<0.000000e+00> : vector<1000x768xf32>
    %dot_general3A_5 = tpu.matmul %get3A_1, %get3A_4, %dot_general3A {dimension_numbers = #tpu.dot_dimension_numbers<[1], [0], [0], [1], [0, 0, 1, 1], [], []>, transpose_lhs_hint = false} : vector<1000x128xf32>, vector<128x768xf32>, vector<1000x768xf32> -> vector<1000x768xf32>
    %get3A_6 = arith.constant 0 : index
    %get3A_7 = arith.constant 0 : index
    %get3A_8 = vector.load %arg3[%get3A_6, %get3A_7] : memref<1x768xf32, #tpu.memory_space<vmem>>, vector<1x768xf32>
    %add3A = vector.broadcast %get3A_8 : vector<1x768xf32> to vector<1000x768xf32>
    %add3A_9 = arith.addf %dot_general3A_5, %add3A : vector<1000x768xf32>
    %slice3A = vector.extract_strided_slice %add3A_9 {offsets = [0, 0], sizes = [1000, 128], strides = [1, 1]} : vector<1000x768xf32> to vector<1000x128xf32>
    %swap3A = arith.constant 0 : index
    %swap3A_10 = arith.constant 0 : index
    %swap3A_11 = arith.constant 0 : index
    %swap3A_12 = vector.load %arg4[%swap3A, %swap3A_10, %swap3A_11] : memref<6x1000x128xf32, #tpu.memory_space<vmem>>, vector<1x1000x128xf32>
    %swap3A_13 = vector.shape_cast %swap3A_12 : vector<1x1000x128xf32> to vector<1000x128xf32>
    %swap3A_14 = vector.shape_cast %slice3A : vector<1000x128xf32> to vector<1x1000x128xf32>
    tpu.vector_store %arg4[%swap3A, %swap3A_10, %swap3A_11], %swap3A_14 {strides = array<i32>} : memref<6x1000x128xf32, #tpu.memory_space<vmem>>, vector<1x1000x128xf32>,
    %slice3A_15 = vector.extract_strided_slice %add3A_9 {offsets = [0, 128], sizes = [1000, 128], strides = [1, 1]} : vector<1000x768xf32> to vector<1000x128xf32>
    %swap3A_16 = arith.constant 1 : index
    %swap3A_17 = arith.constant 0 : index
    %swap3A_18 = arith.constant 0 : index
    %swap3A_19 = vector.load %arg4[%swap3A_16, %swap3A_17, %swap3A_18] : memref<6x1000x128xf32, #tpu.memory_space<vmem>>, vector<1x1000x128xf32>
    %swap3A_20 = vector.shape_cast %swap3A_19 : vector<1x1000x128xf32> to vector<1000x128xf32>
    %swap3A_21 = vector.shape_cast %slice3A_15 : vector<1000x128xf32> to vector<1x1000x128xf32>
    tpu.vector_store %arg4[%swap3A_16, %swap3A_17, %swap3A_18], %swap3A_21 {strides = array<i32>} : memref<6x1000x128xf32, #tpu.memory_space<vmem>>, vector<1x1000x128xf32>,
    %slice3A_22 = vector.extract_strided_slice %add3A_9 {offsets = [0, 256], sizes = [1000, 128], strides = [1, 1]} : vector<1000x768xf32> to vector<1000x128xf32>
    %swap3A_23 = arith.constant 2 : index
    %swap3A_24 = arith.constant 0 : index
    %swap3A_25 = arith.constant 0 : index
    %swap3A_26 = vector.load %arg4[%swap3A_23, %swap3A_24, %swap3A_25] : memref<6x1000x128xf32, #tpu.memory_space<vmem>>, vector<1x1000x128xf32>
    %swap3A_27 = vector.shape_cast %swap3A_26 : vector<1x1000x128xf32> to vector<1000x128xf32>
    %swap3A_28 = vector.shape_cast %slice3A_22 : vector<1000x128xf32> to vector<1x1000x128xf32>
    tpu.vector_store %arg4[%swap3A_23, %swap3A_24, %swap3A_25], %swap3A_28 {strides = array<i32>} : memref<6x1000x128xf32, #tpu.memory_space<vmem>>, vector<1x1000x128xf32>,
    %slice3A_29 = vector.extract_strided_slice %add3A_9 {offsets = [0, 384], sizes = [1000, 128], strides = [1, 1]} : vector<1000x768xf32> to vector<1000x128xf32>
    %swap3A_30 = arith.constant 3 : index
    %swap3A_31 = arith.constant 0 : index
    %swap3A_32 = arith.constant 0 : index
    %swap3A_33 = vector.load %arg4[%swap3A_30, %swap3A_31, %swap3A_32] : memref<6x1000x128xf32, #tpu.memory_space<vmem>>, vector<1x1000x128xf32>
    %swap3A_34 = vector.shape_cast %swap3A_33 : vector<1x1000x128xf32> to vector<1000x128xf32>
    %swap3A_35 = vector.shape_cast %slice3A_29 : vector<1000x128xf32> to vector<1x1000x128xf32>
    tpu.vector_store %arg4[%swap3A_30, %swap3A_31, %swap3A_32], %swap3A_35 {strides = array<i32>} : memref<6x1000x128xf32, #tpu.memory_space<vmem>>, vector<1x1000x128xf32>,
    %slice3A_36 = vector.extract_strided_slice %add3A_9 {offsets = [0, 512], sizes = [1000, 128], strides = [1, 1]} : vector<1000x768xf32> to vector<1000x128xf32>
    %swap3A_37 = arith.constant 4 : index
    %swap3A_38 = arith.constant 0 : index
    %swap3A_39 = arith.constant 0 : index
    %swap3A_40 = vector.load %arg4[%swap3A_37, %swap3A_38, %swap3A_39] : memref<6x1000x128xf32, #tpu.memory_space<vmem>>, vector<1x1000x128xf32>
    %swap3A_41 = vector.shape_cast %swap3A_40 : vector<1x1000x128xf32> to vector<1000x128xf32>
    %swap3A_42 = vector.shape_cast %slice3A_36 : vector<1000x128xf32> to vector<1x1000x128xf32>
    tpu.vector_store %arg4[%swap3A_37, %swap3A_38, %swap3A_39], %swap3A_42 {strides = array<i32>} : memref<6x1000x128xf32, #tpu.memory_space<vmem>>, vector<1x1000x128xf32>,
    %slice3A_43 = vector.extract_strided_slice %add3A_9 {offsets = [0, 640], sizes = [1000, 128], strides = [1, 1]} : vector<1000x768xf32> to vector<1000x128xf32>
    %swap3A_44 = arith.constant 5 : index
    %swap3A_45 = arith.constant 0 : index
    %swap3A_46 = arith.constant 0 : index
    %swap3A_47 = vector.load %arg4[%swap3A_44, %swap3A_45, %swap3A_46] : memref<6x1000x128xf32, #tpu.memory_space<vmem>>, vector<1x1000x128xf32>
    %swap3A_48 = vector.shape_cast %swap3A_47 : vector<1x1000x128xf32> to vector<1000x128xf32>
    %swap3A_49 = vector.shape_cast %slice3A_43 : vector<1000x128xf32> to vector<1x1000x128xf32>
    tpu.vector_store %arg4[%swap3A_44, %swap3A_45, %swap3A_46], %swap3A_49 {strides = array<i32>} : memref<6x1000x128xf32, #tpu.memory_space<vmem>>, vector<1x1000x128xf32>,
    return
  }
  func.func @transform_0(%arg0: i32) -> (i32, i32) {
    %c0_i32 = arith.constant 0 : i32
    %c0_i32_0 = arith.constant 0 : i32
    return %arg0, %c0_i32 : i32, i32
  }
  func.func @transform_1(%arg0: i32) -> (i32, i32) {
    %c0_i32 = arith.constant 0 : i32
    %c0_i32_0 = arith.constant 0 : i32
    %c0_i32_1 = arith.constant 0 : i32
    return %c0_i32, %c0_i32_0 : i32, i32
  }
  func.func @transform_2(%arg0: i32) -> (i32, i32) {
    %c0_i32 = arith.constant 0 : i32
    %c0_i32_0 = arith.constant 0 : i32
    %c0_i32_1 = arith.constant 0 : i32
    return %c0_i32, %c0_i32_0 : i32, i32
  }
  func.func @transform_3(%arg0: i32) -> (i32, i32, i32) {
    %c0_i32 = arith.constant 0 : i32
    %c0_i32_0 = arith.constant 0 : i32
    %c0_i32_1 = arith.constant 0 : i32
    return %c0_i32, %arg0, %c0_i32_0 : i32, i32, i32
  }
}

module attributes {stable_mosaic.version = 14 : i64} {
  func.func @_comb_body(%arg0: i32, %arg1: memref<2500x128xi32, #tpu.memory_space<vmem>>, %arg2: memref<2500x128xi32, #tpu.memory_space<vmem>>, %arg3: memref<2500x128xi32, #tpu.memory_space<vmem>>) attributes {dimension_semantics = [#tpu.dimension_semantics<arbitrary>], iteration_bounds = array<i64: 1>, scalar_prefetch = 0 : i64, scratch_operands = 0 : i64, tpu.core_type = #tpu.core_type<tc>, window_params = [{pipeline_mode = #tpu.pipeline_mode<synchronous>, transform_indices = @transform_0, window_bounds = array<i64: 2500, 128>}, {pipeline_mode = #tpu.pipeline_mode<synchronous>, transform_indices = @transform_1, window_bounds = array<i64: 2500, 128>}, {pipeline_mode = #tpu.pipeline_mode<synchronous>, transform_indices = @transform_2, window_bounds = array<i64: 2500, 128>}]} {
    %get3A = arith.constant 0 : index
    %get3A_0 = arith.constant 0 : index
    %get3A_1 = vector.load %arg2[%get3A, %get3A_0] : memref<2500x128xi32, #tpu.memory_space<vmem>>, vector<2500x128xi32>
    %mul3A = arith.constant 10000 : i32
    %mul3A_2 = vector.broadcast %mul3A : i32 to vector<2500x128xi32>
    %mul3A_3 = arith.muli %get3A_1, %mul3A_2 : vector<2500x128xi32>
    %get3A_4 = arith.constant 0 : index
    %get3A_5 = arith.constant 0 : index
    %get3A_6 = vector.load %arg1[%get3A_4, %get3A_5] : memref<2500x128xi32, #tpu.memory_space<vmem>>, vector<2500x128xi32>
    %add3A = arith.addi %mul3A_3, %get3A_6 : vector<2500x128xi32>
    %swap3A = arith.constant 0 : index
    %swap3A_7 = arith.constant 0 : index
    %swap3A_8 = vector.load %arg3[%swap3A, %swap3A_7] : memref<2500x128xi32, #tpu.memory_space<vmem>>, vector<2500x128xi32>
    tpu.vector_store %arg3[%swap3A, %swap3A_7], %add3A {strides = array<i32>} : memref<2500x128xi32, #tpu.memory_space<vmem>>, vector<2500x128xi32>,
    return
  }
  func.func @transform_0(%arg0: i32) -> (i32, i32) {
    %c0_i32 = arith.constant 0 : i32
    %c0_i32_0 = arith.constant 0 : i32
    %c0_i32_1 = arith.constant 0 : i32
    return %c0_i32, %c0_i32_0 : i32, i32
  }
  func.func @transform_1(%arg0: i32) -> (i32, i32) {
    %c0_i32 = arith.constant 0 : i32
    %c0_i32_0 = arith.constant 0 : i32
    %c0_i32_1 = arith.constant 0 : i32
    return %c0_i32, %c0_i32_0 : i32, i32
  }
  func.func @transform_2(%arg0: i32) -> (i32, i32) {
    %c0_i32 = arith.constant 0 : i32
    %c0_i32_0 = arith.constant 0 : i32
    %c0_i32_1 = arith.constant 0 : i32
    return %c0_i32, %c0_i32_0 : i32, i32
  }
}

module attributes {stable_mosaic.version = 14 : i64} {
  func.func @_gru_body(%arg0: i32, %arg1: memref<1000x384xf32, #tpu.memory_space<vmem>>, %arg2: memref<2x1000x128xf32, #tpu.memory_space<vmem>>, %arg3: memref<128x384xf32, #tpu.memory_space<vmem>>, %arg4: memref<1000x128xf32, #tpu.memory_space<vmem>>) attributes {dimension_semantics = [#tpu.dimension_semantics<arbitrary>], iteration_bounds = array<i64: 10>, scalar_prefetch = 0 : i64, scratch_operands = 0 : i64, tpu.core_type = #tpu.core_type<tc>, window_params = [{transform_indices = @transform_0, window_bounds = array<i64: 1000, 384>}, {transform_indices = @transform_1, window_bounds = array<i64: 2, 1000, 128>}, {pipeline_mode = #tpu.pipeline_mode<synchronous>, transform_indices = @transform_2, window_bounds = array<i64: 128, 384>}, {transform_indices = @transform_3, window_bounds = array<i64: 1000, 128>}]} {
    %get3A = arith.constant 0 : index
    %get3A_0 = arith.constant 0 : index
    %get3A_1 = arith.constant 0 : index
    %get3A_2 = vector.load %arg2[%get3A, %get3A_0, %get3A_1] : memref<2x1000x128xf32, #tpu.memory_space<vmem>>, vector<1x1000x128xf32>
    %get3A_3 = vector.shape_cast %get3A_2 : vector<1x1000x128xf32> to vector<1000x128xf32>
    %get3A_4 = arith.constant 1 : index
    %get3A_5 = arith.constant 0 : index
    %get3A_6 = arith.constant 0 : index
    %get3A_7 = vector.load %arg2[%get3A_4, %get3A_5, %get3A_6] : memref<2x1000x128xf32, #tpu.memory_space<vmem>>, vector<1x1000x128xf32>
    %get3A_8 = vector.shape_cast %get3A_7 : vector<1x1000x128xf32> to vector<1000x128xf32>
    %add3A = arith.addf %get3A_3, %get3A_8 : vector<1000x128xf32>
    %get3A_9 = arith.constant 0 : index
    %get3A_10 = arith.constant 0 : index
    %get3A_11 = vector.load %arg1[%get3A_9, %get3A_10] : memref<1000x384xf32, #tpu.memory_space<vmem>>, vector<1000x384xf32>
    %get3A_12 = arith.constant 0 : index
    %get3A_13 = arith.constant 0 : index
    %get3A_14 = vector.load %arg3[%get3A_12, %get3A_13] : memref<128x384xf32, #tpu.memory_space<vmem>>, vector<128x384xf32>
    %dot_general3A = arith.constant dense<0.000000e+00> : vector<1000x384xf32>
    %dot_general3A_15 = tpu.matmul %add3A, %get3A_14, %dot_general3A {dimension_numbers = #tpu.dot_dimension_numbers<[1], [0], [0], [1], [0, 0, 1, 1], [], []>, transpose_lhs_hint = false} : vector<1000x128xf32>, vector<128x384xf32>, vector<1000x384xf32> -> vector<1000x384xf32>
    %slice3A = vector.extract_strided_slice %get3A_11 {offsets = [0, 0], sizes = [1000, 128], strides = [1, 1]} : vector<1000x384xf32> to vector<1000x128xf32>
    %slice3A_16 = vector.extract_strided_slice %dot_general3A_15 {offsets = [0, 0], sizes = [1000, 128], strides = [1, 1]} : vector<1000x384xf32> to vector<1000x128xf32>
    %add3A_17 = arith.addf %slice3A, %slice3A_16 : vector<1000x128xf32>
    %logistic3A = arith.negf %add3A_17 : vector<1000x128xf32>
    %logistic3A_18 = math.exp %logistic3A : vector<1000x128xf32>
    %logistic3A_19 = arith.constant 1.000000e+00 : f32
    %logistic3A_20 = vector.broadcast %logistic3A_19 : f32 to vector<1000x128xf32>
    %logistic3A_21 = arith.addf %logistic3A_20, %logistic3A_18 : vector<1000x128xf32>
    %logistic3A_22 = arith.divf %logistic3A_20, %logistic3A_21 : vector<1000x128xf32>
    %slice3A_23 = vector.extract_strided_slice %get3A_11 {offsets = [0, 128], sizes = [1000, 128], strides = [1, 1]} : vector<1000x384xf32> to vector<1000x128xf32>
    %slice3A_24 = vector.extract_strided_slice %dot_general3A_15 {offsets = [0, 128], sizes = [1000, 128], strides = [1, 1]} : vector<1000x384xf32> to vector<1000x128xf32>
    %add3A_25 = arith.addf %slice3A_23, %slice3A_24 : vector<1000x128xf32>
    %logistic3A_26 = arith.negf %add3A_25 : vector<1000x128xf32>
    %logistic3A_27 = math.exp %logistic3A_26 : vector<1000x128xf32>
    %logistic3A_28 = arith.constant 1.000000e+00 : f32
    %logistic3A_29 = vector.broadcast %logistic3A_28 : f32 to vector<1000x128xf32>
    %logistic3A_30 = arith.addf %logistic3A_29, %logistic3A_27 : vector<1000x128xf32>
    %logistic3A_31 = arith.divf %logistic3A_29, %logistic3A_30 : vector<1000x128xf32>
    %slice3A_32 = vector.extract_strided_slice %get3A_11 {offsets = [0, 256], sizes = [1000, 128], strides = [1, 1]} : vector<1000x384xf32> to vector<1000x128xf32>
    %slice3A_33 = vector.extract_strided_slice %dot_general3A_15 {offsets = [0, 256], sizes = [1000, 128], strides = [1, 1]} : vector<1000x384xf32> to vector<1000x128xf32>
    %mul3A = arith.mulf %logistic3A_22, %slice3A_33 : vector<1000x128xf32>
    %add3A_34 = arith.addf %slice3A_32, %mul3A : vector<1000x128xf32>
    %tanh3A = math.tanh %add3A_34 : vector<1000x128xf32>
    %sub3A = arith.constant 1.000000e+00 : f32
    %sub3A_35 = vector.broadcast %sub3A : f32 to vector<1000x128xf32>
    %sub3A_36 = arith.subf %sub3A_35, %logistic3A_31 : vector<1000x128xf32>
    %mul3A_37 = arith.mulf %sub3A_36, %tanh3A : vector<1000x128xf32>
    %mul3A_38 = arith.mulf %logistic3A_31, %add3A : vector<1000x128xf32>
    %add3A_39 = arith.addf %mul3A_37, %mul3A_38 : vector<1000x128xf32>
    %swap3A = arith.constant 0 : index
    %swap3A_40 = arith.constant 0 : index
    %swap3A_41 = vector.load %arg4[%swap3A, %swap3A_40] : memref<1000x128xf32, #tpu.memory_space<vmem>>, vector<1000x128xf32>
    tpu.vector_store %arg4[%swap3A, %swap3A_40], %add3A_39 {strides = array<i32>} : memref<1000x128xf32, #tpu.memory_space<vmem>>, vector<1000x128xf32>,
    return
  }
  func.func @transform_0(%arg0: i32) -> (i32, i32) {
    %c0_i32 = arith.constant 0 : i32
    %c0_i32_0 = arith.constant 0 : i32
    return %arg0, %c0_i32 : i32, i32
  }
  func.func @transform_1(%arg0: i32) -> (i32, i32, i32) {
    %c0_i32 = arith.constant 0 : i32
    %c0_i32_0 = arith.constant 0 : i32
    %c0_i32_1 = arith.constant 0 : i32
    return %c0_i32, %arg0, %c0_i32_0 : i32, i32, i32
  }
  func.func @transform_2(%arg0: i32) -> (i32, i32) {
    %c0_i32 = arith.constant 0 : i32
    %c0_i32_0 = arith.constant 0 : i32
    %c0_i32_1 = arith.constant 0 : i32
    return %c0_i32, %c0_i32_0 : i32, i32
  }
  func.func @transform_3(%arg0: i32) -> (i32, i32) {
    %c0_i32 = arith.constant 0 : i32
    %c0_i32_0 = arith.constant 0 : i32
    return %arg0, %c0_i32 : i32, i32
  }
}

</mosaic_0001>

<sc_bundles>
// kernel: kernel.7.cloned.1.call-start
scs
__scs_entry_jumppad:
0x0: {  	(pc) =	sbr.rel $0x88, $3  }
0x1: {  	(tag) =	ssettag $0x0;
	lr =	simm.s32 $0x1  }
0x2: {  	[smem:$0x3F92] =	sst lr;
	_ =	strace $0xD0000000  }
0x3: {  	_ = 	snop  }
0x4: {  	_ = 	snop  }
0x5: {  	_ = 	snop  }
0x6: {  	_ = 	snop  }
0x7: {  	_ = 	snop  }
__scs_overlays_trampoline_lowered:
0x8: {  	[smem:$0x3FA1] =	sst s0  }
0x9: {  	[smem:$0x3FA2] =	sst s1  }
0xa: {  	[smem:$0x3FA3] =	sst s2  }
0xb: {  	[smem:$0x3FA4] =	sst s3  }
0xc: {  	[smem:$0x3FA5] =	sst s4  }
0xd: {  	[smem:$0x3FA6] =	sst s5  }
0xe: {  	[smem:$0x3FA7] =	sst s6  }
0xf: {  	[smem:$0x3FA8] =	sst s7  }
0x10: {  	[smem:$0x3FA9] =	sst s8  }
0x11: {  	[smem:$0x3FAA] =	sst s9;
	s0 =	simm.s32 @!p0 $0x0  }
0x12: {  	s1 =	sld [smem:$0x3F90];
	s0 =	simm.s32 @p0 $0x1  }
0x13: {  	[smem:$0x3FAB] =	sst s0;
	s0 =	simm.s32 @!p1 $0x0  }
0x14: {  	s2 =	sld [smem:$0x3F8F];
	s0 =	simm.s32 @p1 $0x1  }
0x15: {  	[smem:$0x3FAC] =	sst s0;
	s0 =	simm.s32 @!p2 $0x0  }
0x16: {  	s3 =	sld [smem:$0x3FDB];
	s0 =	simm.s32 @p2 $0x1  }
0x17: {  	s4 =	simm.s32 $0x1BF5;
	[smem:$0x3FAE] =	sst s0  }
0x18: {  	s0 =	sld [smem:$0x3F91];
	_ =	swait.ge [sflag:s4], $0x0  }
0x19: {  	s7 =	sld [smem:$0x3F92]  }
0x1a: {  	s8 =	sadd.s32 $0xFFFFE003, lr  }
0x1b: {  	s9 =	sadd.s32 $0xFFFFFEF7, lr;
	s5 =	simm.s32 $0xFFFFFFFF;
	p2 =	slt.u32 s8, $0xFFFFF086  }
0x1c: {  	p1 =	slt.u32 s9, $0xF7A;
	s5 =	simm.s32 @!p2 $0x0  }
0x1d: {  	s5 =	simm.s32 @p1 $0x1;
	p0 =	seq.s32 s7, s2  }
0x1e: {  	s7 =	smul.u32 @!p0 $0xF7A, s2;
	p2 =	seq.s32 @!p0 s5, $0x0  }
0x1f: {  	s9 =	smul.u32 $0xF7A, s1;
	s8 =	simm.s32 @!p0 $0x1BF5;
	p2 =	por !p2, p0  }
0x20: {  	[sflag:s8] =	ssyncset.s32 @!p0 $0xFFFFF086;
	s6 =	sadd.s32 @!p0 s3, s7;
	s7 =	simm.s32 @!p0 $0x108  }
0x21: {  	s3 =	sadd.s32 s3, s9;
	s6 =	sadd.s32 @!p0 $0x88, s6;
	s7 =	simm.s32 @p2 $0x1082  }
0x22: {  	[simem:s7], [sflag:s8] =	dma.local @!p0 [hbm:s6], $0xF7A  }
0x23: {  	s9 =	sor.u32 $0xD0000000, s2;
	s6 =	simm.s32 $0x108;
	_ =	swait.ge @!p0 [sflag:s8], $0x0  }
0x24: {  	s3 =	sadd.s32 $0x88, s3;
	s6 =	simm.s32 @!p1 $0x1082;
	[sflag:s4] =	ssyncset.s32 $0xFFFFF086  }
0x25: {  	[simem:s6], [sflag:s4] =	dma.local [hbm:s3], $0xF7A  }
0x26: {  	[smem:$0x3F92] =	sst s1;
	(tag) =	ssettag s2;
	_ =	strace s9  }
0x27: {  	s1 =	sld [smem:$0x3FA2]  }
0x28: {  	s2 =	sld [smem:$0x3FA3]  }
0x29: {  	s4 =	sld [smem:$0x3FA5]  }
0x2a: {  	p0 =	seq.s32 s5, $0x0;
	s5 =	sld [smem:$0x3FA6]  }
0x2b: {  	s6 =	sld [smem:$0x3FA7]  }
0x2c: {  	s7 =	sld [smem:$0x3FA8]  }
0x2d: {  	s3 =	simm.s32 $0x108;
	s8 =	sld [smem:$0x3FA9]  }
0x2e: {  	s3 =	simm.s32 @!p0 $0x1082;
	s9 =	sld [smem:$0x3FAA]  }
0x2f: {  	lr =	sadd.s32 s0, s3;
	s0 =	sld [smem:$0x3FA1]  }
0x30: {  	s3 =	sld [smem:$0x3FA4]  }
0x31: {  	[smem:$0x3FAD] =	sst s10  }
0x32: {  	s10 =	sld [smem:$0x3FAB];
	_ =	sdelay $0x3  }
0x33: {  	p0 =	seq.s32 s10, $0x1;
	s10 =	sld [smem:$0x3FAD];
	_ =	sdelay $0x3  }
0x34: {  	[smem:$0x3FAD] =	sst s10  }
0x35: {  	s10 =	sld [smem:$0x3FAC];
	_ =	sdelay $0x3  }
0x36: {  	p1 =	seq.s32 s10, $0x1;
	s10 =	sld [smem:$0x3FAD];
	_ =	sdelay $0x3  }
0x37: {  	[smem:$0x3FAD] =	sst s10  }
0x38: {  	s10 =	sld [smem:$0x3FAE]  }
0x39: {  	_ = 	snop;
	(pc) =	sbr.ind lr, $3  }
0x3a: {  	_ = 	snop  }
0x3b: {  	_ = 	snop  }
0x3c: {  	p2 =	seq.s32 s10, $0x1;
	s10 =	sld [smem:$0x3FAD]  }
0x3d: {  	_ =	shalt  }
0x3e: {  	_ =	shalt  }
0x3f: {  	_ =	shalt  }
0x40: {  	_ =	shalt  }
0x41: {  	_ =	shalt  }
0x42: {  	_ =	shalt  }
0x43: {  	_ =	shalt  }
0x44: {  	_ =	shalt  }
0x45: {  	_ =	shalt  }
0x46: {  	_ =	shalt  }
0x47: {  	_ =	shalt  }
0x48: {  	_ =	shalt  }
0x49: {  	_ =	shalt  }
0x4a: {  	_ =	shalt  }
0x4b: {  	_ =	shalt  }
0x4c: {  	_ =	shalt  }
0x4d: {  	_ =	shalt  }
0x4e: {  	_ =	shalt  }
0x4f: {  	_ =	shalt  }
0x50: {  	_ =	shalt  }
0x51: {  	_ =	shalt  }
0x52: {  	_ =	shalt  }
0x53: {  	_ =	shalt  }
0x54: {  	_ =	shalt  }
0x55: {  	_ =	shalt  }
0x56: {  	_ =	shalt  }
0x57: {  	_ =	shalt  }
0x58: {  	_ =	shalt  }
0x59: {  	_ =	shalt  }
0x5a: {  	_ =	shalt  }
0x5b: {  	_ =	shalt  }
0x5c: {  	_ =	shalt  }
0x5d: {  	_ =	shalt  }
0x5e: {  	_ =	shalt  }
0x5f: {  	_ =	shalt  }
0x60: {  	_ =	shalt  }
0x61: {  	_ =	shalt  }
0x62: {  	_ =	shalt  }
0x63: {  	_ =	shalt  }
0x64: {  	_ =	shalt  }
0x65: {  	_ =	shalt  }
0x66: {  	_ =	shalt  }
0x67: {  	_ =	shalt  }
0x68: {  	_ =	shalt  }
0x69: {  	_ =	shalt  }
0x6a: {  	_ =	shalt  }
0x6b: {  	_ =	shalt  }
0x6c: {  	_ =	shalt  }
0x6d: {  	_ =	shalt  }
0x6e: {  	_ =	shalt  }
0x6f: {  	_ =	shalt  }
0x70: {  	_ =	shalt  }
0x71: {  	_ =	shalt  }
0x72: {  	_ =	shalt  }
0x73: {  	_ =	shalt  }
0x74: {  	_ =	shalt  }
0x75: {  	_ =	shalt  }
0x76: {  	_ =	shalt  }
0x77: {  	_ =	shalt  }
0x78: {  	_ =	shalt  }
0x79: {  	_ =	shalt  }
0x7a: {  	_ =	shalt  }
0x7b: {  	_ =	shalt  }
0x7c: {  	_ =	shalt  }
0x7d: {  	_ =	shalt  }
0x7e: {  	_ =	shalt  }
0x7f: {  	_ =	shalt  }
0x80: {  	_ =	shalt  }
0x81: {  	_ =	shalt  }
0x82: {  	_ =	shalt  }
0x83: {  	_ =	shalt  }
0x84: {  	_ =	shalt  }
0x85: {  	_ =	shalt  }
0x86: {  	_ =	shalt  }
0x87: {  	_ =	shalt  }
.Lfunc_end0:
.L_simem_size_0:
called_computation_lowered:
.L_overlay_start_0:
0x88: {  	s2 =	sld [smem:$0x3FD9]  }
0x89: {  	s3 =	sld [smem:$0x3FFE];
	_ =	sdelay $0x1  }
0x8a: {  	s1 =	srdreg.scid  }
0x8b: {  	s0 =	sand.u32 $0x1, s1  }
0x8c: {  	s17 =	sshll.u32 s0, $0xA;
	s2 =	sadd.s32 s3, s2  }
0x8d: {  	s2 =	sadd.s32 s2, s17  }
0x8e: {  	[smem:$0x3FB9] =	sst s2  }
0x8f: {  	_ = 	snop  }
0x90: {  	s2 =	sld [smem:$0x3FC7]  }
0x91: {  	s18 =	sld [smem:$0x3FD0];
	(tm) =	ssettm $0x1  }
0x92: {  	s4 =	sld [smem:$0x3FFB];
	_ =	sdelay $0x3  }
0x93: {  	_ =	strace s4  }
0x94: {  	s4 =	sld [smem:$0x3FFC];
	_ =	sdelay $0x3  }
0x95: {  	_ =	strace s4  }
0x96: {  	s4 =	sld [smem:$0x3FFD];
	_ =	sdelay $0x3  }
0x97: {  	_ =	strace s4  }
0x98: {  	_ =	strace $0x8FFFFFFF  }
0x99: {  	s19 =	sld [smem:$0x3FDB];
	_ =	sdelay $0x1  }
0x9a: {  	s5 =	simm.s32 $_scs_section_size  }
0x9b: {  	s6 =	simm.s32 $_size__tile_overlayer_lowered;
	s7 =	simm.s32 $_tile_overlayer_lowered  }
0x9c: {  	s22 =	simm.s32 $0x1BFF;
	s21 =	sshll.u32 s7, $0x1;
	s4 =	sadd.s32 s5, s19  }
0x9d: {  	s8 =	simm.s32 $0x0;
	s20 =	sshll.u32 s6, $0x1;
	s6 =	sadd.s32 s21, s4  }
0x9e: {  	[timem:s8], [sflag:s22] =	dma.local [hbm:s6], s20  }
0x9f: {  	_ =	swait.ge [sflag:s22], s20  }
0xa0: {  	s5 =	ssub.s32 $0x0, s20;
	[sflag:s22] =	ssyncset.done $0x0  }
0xa1: {  	[sflag:s22] =	ssyncadd.s32 s5;
	_ =	sdelay $0x1  }
0xa2: {  	s23 =	simm.s32 $0x1B8B  }
0xa3: {  	_ =	swait.ge [sflag:s23], $0x1  }
0xa4: {  	[sflag:s23] =	ssyncset.done $0x0  }
0xa5: {  	s25 =	simm.s32 $0x1B8E;
	s24 =	sld [smem:$0x3FFE];
	[sflag:s23] =	ssyncadd.s32 $0xFFFFFFFF  }
0xa6: {  	s26 =	simm.s32 $execute0_lowered;
	[smem:$0x3FD2] =	sst s25  }
0xa7: {  	s6 =	sshll.u32 s26, $0x1;
	_ =	strace $0x80000046;
	[dreg:$0x1] =	wrdreg $0xFFFFFFFF  }
0xa8: {  	s28 =	simm.s32 $_size_execute0_lowered;
	s4 =	sadd.s32 s4, s6;
	[dreg:$0x0] =	wrdreg $0x0  }
0xa9: {  	s6 =	sshll.u32 s28, $0x1;
	[dreg:$0x2] =	wrdreg s4  }
0xaa: {  	[dreg:$0x3] =	wrdreg s6  }
0xab: {  	[dreg:$0x4] =	wrdreg $0xC0  }
0xac: {  	_ =	task [dreg:s8], $0x5FFFF  }
0xad: {  	[dreg:$0x1] =	wrdreg $0xFFFFFFFF  }
0xae: {  	[dreg:$0x0] =	wrdreg $0x60  }
0xaf: {  	[dreg:$0x2] =	wrdreg s24  }
0xb0: {  	[dreg:$0x3] =	wrdreg s18  }
0xb1: {  	[dreg:$0x4] =	wrdreg s2  }
0xb2: {  	[dreg:$0x5] =	wrdreg $0xA1800  }
0xb3: {  	[dreg:$0x6] =	wrdreg $0x9  }
0xb4: {  	_ =	task.clear_ibuf [dreg:s8], $0x7FFFF;
	_ =	strace $0x90000046  }
0xb5: {  	s29 =	simm.s32 $0x9;
	_ =	strace $0x80000048  }
0xb6: {  	_ =	swait.ge [sflag:s29], $0x1  }
0xb7: {  	[sflag:s29] =	ssyncadd.s32 $0xFFFFFFFF  }
0xb8: {  	_ =	strace $0x90000048  }
0xb9: {  	_ =	sfence  }
0xba: {  	s30 =	sld [smem:$0x0];
	_ =	sdelay $0x2  }
0xbb: {  	s31 =	sshll.u32 s1, $0xD;
	s1 =	sshrl.u32 s1, $0x2  }
0xbc: {  	s3 =	sand.u32 $0x4000, s31;
	s1 =	sadd.s32 s1, s30  }
0xbd: {  	s0 =	sor.u32 s3, s0;
	s1 =	sshll.u32 s1, $0x11  }
0xbe: {  	s0 =	sor.u32 s1, s0  }
0xbf: {  	s0 =	sadd.s32 $0x8F2B, s0  }
0xc0: {  	[sflag:s0] =	ssyncadd.remote.s32 $0x1  }
0xc1: {  	_ =	sfence.sel $0xFFFF  }
0xc2: {  	[dreg:$0x0] =	wrdreg $0xFFFFFFFF;
	(pc) =	sbr.abs _section_cstart, $3  }
0xc3: {  	[dreg:$0x1] =	wrdreg $0xFFFFFFFF  }
0xc4: {  	_ =	task.clear_ibuf [dreg:s8], $0x2FFFF;
	_ =	strace $0x9FFFFFFF  }
0xc5: {  	(tm) =	ssettm $0x7FFFFFFF  }
tec
execute0_lowered:
.L_overlay_start_1:
0x0: {  	(tag) =	ssettag $0x1  }
0x1: {  	s0 =	rddreg [dreg:$0x0]  }
0x2: {  	s3 =	rddreg [dreg:$0x1]  }
0x3: {  	s1 =	rddreg [dreg:$0x2]  }
0x4: {  	s2 =	rddreg [dreg:$0x3];
	s11 =	stileid.u32  }
0x5: {  	s4 =	srdreg.scid;
	s28 =	simm.s32 $0x1;
	s8 =	smul.u32 $0x14000, s11  }
0x6: {  	s29 =	simm.s32 $0x2780;
	s30 =	simm.s32 $0x50;
	s26 =	smul.u32 $0x50000, s11  }
0x7: {  	s31 =	simm.s32 $0x2800;
	s7 =	sand.u32 $0x1, s4;
	s19 =	smul.u32 $0x2710, s11  }
0x8: {  	s4 =	simm.s32 $0x0;
	s5 =	sadd.s32 $0x2400, s0;
	s6 =	smul.u32 $0x140000, s7  }
0x9: {  	[smem:$0x7FF] =	sst s4;
	s9 =	sshll.u32 s7, $0x4;
	s10 =	ssub.s32 $0x2, s7  }
0xa: {  	s17 =	smul.u32 $0x27100, s7;
	_ =	strace $0x80000047;
	s25 =	sor.u32 s11, s9  }
0xb: {  	s12 =	sshrl.u32 s10, $0x1;
	s9 =	sshrl.u32 s26, $0x2;
	s11 =	simm.s32 $0x5  }
0xc: {  	s6 =	sadd.s32 s8, s6;
	s8 =	smul.u32 $0x2710, s25;
	s10 =	ssub.s32 s10, s12  }
0xd: {  	s24 =	sadd.s32 s19, s17;
	s12 =	simm.s32 $0x0;
	s6 =	sshrl.u32 s6, $0x3  }
0xe: {  	s25 =	smax.u32 s10, $0x1;
	s0 =	sadd.s32 s6, s0;
	s8 =	sshrl.u32 s8, $0x3  }
0xf: {  	s6 =	sadd.s32 s9, s2;
	[dreg:$0x10] =	wrdreg s25;
	s3 =	sadd.s32 s3, s8  }
0x10: {  	s26 =	sadd.s32 $0x190, s24;
	s13 =	sadd.s32 $0x2800, s6;
	[dreg:$0x5] =	wrdreg s3  }
0x11: {  	s7 =	sadd.s32 $0x140, s24;
	s14 =	sadd.s32 $0x5000, s6;
	[dreg:$0x6] =	wrdreg s13  }
0x12: {  	s24 =	sadd.s32 $0xF0, s24;
	s15 =	sadd.s32 $0x7800, s6;
	[dreg:$0x7] =	wrdreg s14  }
0x13: {  	s10 =	simm.s32 $0x4;
	s16 =	sadd.s32 $0xA000, s6;
	[dreg:$0x8] =	wrdreg s15  }
0x14: {  	s7 =	sshrl.u32 s7, $0x3;
	s18 =	sadd.s32 $0xC800, s6;
	[dreg:$0x9] =	wrdreg s16  }
0x15: {  	s25 =	simm.s32 $0x2980;
	s20 =	sadd.s32 $0xF000, s6;
	[dreg:$0xa] =	wrdreg s18  }
0x16: {  	s9 =	simm.s32 $0x3;
	s21 =	sadd.s32 $0x11800, s6;
	[dreg:$0xb] =	wrdreg s20  }
0x17: {  	s0 =	sadd.s32 $0xECA00, s0;
	s13 =	sadd.s32 s1, s8;
	[dreg:$0xc] =	wrdreg s21  }
0x18: {  	[dreg:$0xf] =	wrdreg s0;
	s3 =	sshrl.u32 s26, $0x3;
	s26 =	simm.s32 $0x6  }
0x19: {  	s0 =	simm.s32 $0x5180;
	s8 =	simm.s32 $0x2;
	s22 =	sadd.s32 $0xA, s13  }
0x1a: {  	s23 =	sadd.s32 $0x14, s13;
	s20 =	sadd.s32 $0x4CE, s13;
	[dreg:$0xd] =	wrdreg s22  }
0x1b: {  	s21 =	sadd.s32 $0x4D8, s13;
	[dreg:$0xe] =	wrdreg s23;
	s22 =	sadd.s32 s3, s1  }
0x1c: {  	v0 =	vimm.f32 $0.0e+00;
	s23 =	sadd.s32 s7, s1;
	s3 =	simm.s32 $0x2880;
	s7 =	simm.s32 $0x7980  }
.LBB2_1:
0x1d: {  	s14 =	rddreg [dreg:$0x5]  }
0x1e: {  	[tilespmem:s4], [sflag:$0x1] =	stream.linear.gather [hbm4b:s14+s4], $0x2710, $0x38;
	[tilespmem:$0x1E180] =	vst v63  }
0x1f: {  	s15 =	simm.s32 $0x200;
	s14 =	simm.s32 $0x0  }
.LBB2_2:
0x20: {  	p0 =	sne.s32 s15, $0x9E00;
	[tilespmem:s14+$0x29F0] =	vst v0  }
0x21: {  	[tilespmem:s14+$0x2980] =	vst v0  }
0x22: {  	[tilespmem:s14+$0x2990] =	vst v0  }
.Ltmp0:
0x23: {  	[tilespmem:s14+$0x29A0] =	vst v0;
	(pc) =	sbr.rel @p0 .LBB2_2-.Ltmp0, $4  }
0x24: {  	[tilespmem:s14+$0x29B0] =	vst v0  }
0x25: {  	[tilespmem:s14+$0x29C0] =	vst v0  }
0x26: {  	[tilespmem:s14+$0x29D0] =	vst v0  }
0x27: {  	[tilespmem:s14+$0x29E0] =	vst v0;
	s14 =	sshra.s32 s15, $0x2;
	s15 =	sadd.s32 $0x200, s15  }
0x28: {  	[tilespmem:s14+$0x29F0] =	vst v0  }
0x29: {  	[tilespmem:s14+$0x2980] =	vst v0  }
0x2a: {  	[tilespmem:s14+$0x2990] =	vst v0  }
0x2b: {  	[tilespmem:s14+$0x29A0] =	vst v0  }
0x2c: {  	[tilespmem:s14+$0x29B0] =	vst v0  }
0x2d: {  	[tilespmem:s14+$0x29C0] =	vst v0  }
0x2e: {  	[tilespmem:s14+$0x29D0] =	vst v0  }
0x2f: {  	[tilespmem:s14+$0x29E0] =	vst v0  }
0x30: {  	[spmem:s6] =	stream.linear.scatter [tilespmem:s25], [sflag:$0x6], $0x2800, $0x38;
	[tilespmem:$0x1E180] =	vst v63  }
0x31: {  	_ =	swait.ge [sflag:s26], $0x2800  }
0x32: {  	[sflag:s26] =	ssyncset.done $0x0  }
0x33: {  	s16 =	rddreg [dreg:$0x6];
	[sflag:s26] =	ssyncadd.s32 $0xFFFFD800  }
0x34: {  	[spmem:s16] =	stream.linear.scatter [tilespmem:s25], [sflag:$0x6], $0x2800, $0x38;
	[tilespmem:$0x1E180] =	vst v63  }
0x35: {  	_ =	swait.ge [sflag:s26], $0x2800  }
0x36: {  	[sflag:s26] =	ssyncset.done $0x0  }
0x37: {  	s17 =	rddreg [dreg:$0x7];
	[sflag:s26] =	ssyncadd.s32 $0xFFFFD800  }
0x38: {  	[spmem:s17] =	stream.linear.scatter [tilespmem:s25], [sflag:$0x6], $0x2800, $0x38;
	[tilespmem:$0x1E180] =	vst v63  }
0x39: {  	_ =	swait.ge [sflag:s26], $0x2800  }
0x3a: {  	[sflag:s26] =	ssyncset.done $0x0  }
0x3b: {  	s18 =	rddreg [dreg:$0x8];
	[sflag:s26] =	ssyncadd.s32 $0xFFFFD800  }
0x3c: {  	[spmem:s18] =	stream.linear.scatter [tilespmem:s25], [sflag:$0x6], $0x2800, $0x38;
	[tilespmem:$0x1E180] =	vst v63  }
0x3d: {  	_ =	swait.ge [sflag:s26], $0x2800  }
0x3e: {  	[sflag:s26] =	ssyncset.done $0x0  }
0x3f: {  	s19 =	rddreg [dreg:$0x9];
	[sflag:s26] =	ssyncadd.s32 $0xFFFFD800  }
0x40: {  	[spmem:s19] =	stream.linear.scatter [tilespmem:s25], [sflag:$0x6], $0x2800, $0x38;
	[tilespmem:$0x1E180] =	vst v63  }
0x41: {  	_ =	swait.ge [sflag:s26], $0x2800  }
0x42: {  	[sflag:s26] =	ssyncset.done $0x0  }
0x43: {  	s15 =	rddreg [dreg:$0xa];
	[sflag:s26] =	ssyncadd.s32 $0xFFFFD800  }
0x44: {  	[spmem:s15] =	stream.linear.scatter [tilespmem:s25], [sflag:$0x6], $0x2800, $0x38;
	[tilespmem:$0x1E180] =	vst v63  }
0x45: {  	_ =	swait.ge [sflag:s26], $0x2800  }
0x46: {  	[sflag:s26] =	ssyncset.done $0x0  }
0x47: {  	s16 =	rddreg [dreg:$0xb];
	[sflag:s26] =	ssyncadd.s32 $0xFFFFD800  }
0x48: {  	[spmem:s16] =	stream.linear.scatter [tilespmem:s25], [sflag:$0x6], $0x2800, $0x38;
	[tilespmem:$0x1E180] =	vst v63  }
0x49: {  	_ =	swait.ge [sflag:s26], $0x2800  }
0x4a: {  	[sflag:s26] =	ssyncset.done $0x0  }
0x4b: {  	s17 =	rddreg [dreg:$0xc];
	[sflag:s26] =	ssyncadd.s32 $0xFFFFD800  }
0x4c: {  	[spmem:s17] =	stream.linear.scatter [tilespmem:s25], [sflag:$0x6], $0x2800, $0x38;
	[tilespmem:$0x1E180] =	vst v63  }
0x4d: {  	_ =	swait.ge [sflag:s26], $0x2800  }
0x4e: {  	[sflag:s26] =	ssyncset.done $0x0  }
0x4f: {  	[sflag:s26] =	ssyncadd.s32 $0xFFFFD800  }
0x50: {  	_ =	swait.ge [sflag:s28], $0x2710  }
0x51: {  	[sflag:s28] =	ssyncset.done $0x0  }
0x52: {  	[sflag:s28] =	ssyncadd.s32 $0xFFFFD8F0  }
0x53: {  	s18 =	simm.s32 $0x0;
	[bflag:$0x0] =	sbarrier.arrive $0xFFFF  }
0x54: {  	[tilespmem:s29], [sflag:$0x2] =	stream.linear.gather [hbm4b:s13+s18], $0x50, $0x38;
	[tilespmem:$0x1E180] =	vst v63  }
0x55: {  	_ = 	snop  }
0x56: {  	[tilespmem:s25], [sflag:$0x3] =	stream.indirect.gather [hbm4b:s5+s30], $0x80, s18, s30, $0xb8;
	[tilespmem:$0x1E180] =	vst v63  }
0x57: {  	s15 =	rddreg [dreg:$0xd]  }
0x58: {  	[tilespmem:s31], [sflag:$0x2] =	stream.linear.gather [hbm4b:s15+s18], $0x50, $0x38;
	[tilespmem:$0x1E180] =	vst v63  }
0x59: {  	_ = 	snop  }
0x5a: {  	[tilespmem:s0], [sflag:$0x4] =	stream.indirect.gather [hbm4b:s5+s30], $0x80, s30, s30, $0xb8;
	[tilespmem:$0x1E180] =	vst v63  }
0x5b: {  	s19 =	rddreg [dreg:$0xe]  }
0x5c: {  	[tilespmem:s3], [sflag:$0x2] =	stream.linear.gather [hbm4b:s19+s18], $0x50, $0x38;
	[tilespmem:$0x1E180] =	vst v63  }
0x5d: {  	s16 =	simm.s32 $0xA0  }
0x5e: {  	[tilespmem:s7], [sflag:$0x5] =	stream.indirect.gather [hbm4b:s5+s30], $0x80, s16, s30, $0xb8;
	[tilespmem:$0x1E180] =	vst v63  }
0x5f: {  	_ =	swait.ge [sflag:s8], $0x50  }
0x60: {  	[sflag:s8] =	ssyncset.done $0x0  }
0x61: {  	[sflag:s8] =	ssyncadd.s32 $0xFFFFFFB0  }
0x62: {  	_ =	swait.ge [sflag:s9], $0x2800  }
0x63: {  	[sflag:s9] =	ssyncset.done $0x0  }
0x64: {  	[sflag:s9] =	ssyncadd.s32 $0xFFFFD800  }
0x65: {  	[spmem:s2] =	stream.indirect.scatter.add.f32 [tilespmem:s25], [sflag:$0x6], $0x80, s29, s30, $0xb8;
	[tilespmem:$0x1E180] =	vst v63  }
0x66: {  	_ =	swait.ge [sflag:s26], $0x2800  }
0x67: {  	s17 =	sshrl.u32 s24, $0x3;
	[sflag:s26] =	ssyncset.done $0x0  }
0x68: {  	s14 =	sadd.s32 s1, s17;
	[sflag:s26] =	ssyncadd.s32 $0xFFFFD800  }
0x69: {  	[tilespmem:s29], [sflag:$0x2] =	stream.linear.gather [hbm4b:s14+s4], $0x50, $0x38;
	[tilespmem:$0x1E180] =	vst v63  }
0x6a: {  	s18 =	simm.s32 $0xF0  }
0x6b: {  	[tilespmem:s25], [sflag:$0x3] =	stream.indirect.gather [hbm4b:s5+s30], $0x80, s18, s30, $0xb8;
	[tilespmem:$0x1E180] =	vst v63  }
0x6c: {  	_ =	swait.ge [sflag:s8], $0x50  }
0x6d: {  	[sflag:s8] =	ssyncset.done $0x0  }
0x6e: {  	[sflag:s8] =	ssyncadd.s32 $0xFFFFFFB0  }
0x6f: {  	_ =	swait.ge [sflag:s10], $0x2800  }
0x70: {  	[sflag:s10] =	ssyncset.done $0x0  }
0x71: {  	[sflag:s10] =	ssyncadd.s32 $0xFFFFD800  }
0x72: {  	[spmem:s2] =	stream.indirect.scatter.add.f32 [tilespmem:s0], [sflag:$0x6], $0x80, s31, s30, $0xb8;
	[tilespmem:$0x1E180] =	vst v63  }
0x73: {  	_ =	swait.ge [sflag:s26], $0x2800  }
0x74: {  	[sflag:s26] =	ssyncset.done $0x0  }
0x75: {  	[sflag:s26] =	ssyncadd.s32 $0xFFFFD800  }
0x76: {  	[tilespmem:s31], [sflag:$0x2] =	stream.linear.gather [hbm4b:s23+s4], $0x50, $0x38;
	[tilespmem:$0x1E180] =	vst v63  }
0x77: {  	s19 =	simm.s32 $0x140  }
0x78: {  	[tilespmem:s0], [sflag:$0x4] =	stream.indirect.gather [hbm4b:s5+s30], $0x80, s19, s30, $0xb8;
	[tilespmem:$0x1E180] =	vst v63  }
0x79: {  	_ =	swait.ge [sflag:s8], $0x50  }
0x7a: {  	[sflag:s8] =	ssyncset.done $0x0  }
0x7b: {  	[sflag:s8] =	ssyncadd.s32 $0xFFFFFFB0  }
0x7c: {  	_ =	swait.ge [sflag:s11], $0x2800  }
0x7d: {  	[sflag:s11] =	ssyncset.done $0x0  }
0x7e: {  	[sflag:s11] =	ssyncadd.s32 $0xFFFFD800  }
0x7f: {  	[spmem:s2] =	stream.indirect.scatter.add.f32 [tilespmem:s7], [sflag:$0x6], $0x80, s3, s30, $0xb8;
	[tilespmem:$0x1E180] =	vst v63  }
0x80: {  	s17 =	sadd.s32 $0x1E, s23;
	_ =	swait.ge [sflag:s26], $0x2800  }
0x81: {  	s15 =	sadd.s32 $0xF0, s24;
	s16 =	sadd.s32 $0x1E, s22;
	[sflag:s26] =	ssyncset.done $0x0  }
0x82: {  	s14 =	simm.s32 $0x3C0;
	s18 =	simm.s32 $0x190;
	[sflag:s26] =	ssyncadd.s32 $0xFFFFD800  }
0x83: {  	[tilespmem:s3], [sflag:$0x2] =	stream.linear.gather [hbm4b:s22+s4], $0x50, $0x38;
	[tilespmem:$0x1E180] =	vst v63  }
.LBB2_4:
0x84: {  	[tilespmem:s7], [sflag:$0x5] =	stream.indirect.gather [hbm4b:s5+s30], $0x80, s18, s30, $0xb8;
	[tilespmem:$0x1E180] =	vst v63  }
0x85: {  	s18 =	smov.u32 s14  }
0x86: {  	p0 =	sne.s32 s14, $0x9240;
	s14 =	sadd.s32 $0x3C0, s14;
	_ =	swait.ge [sflag:s8], $0x50  }
0x87: {  	[sflag:s8] =	ssyncset.done $0x0  }
0x88: {  	[sflag:s8] =	ssyncadd.s32 $0xFFFFFFB0  }
0x89: {  	_ =	swait.ge [sflag:s9], $0x2800  }
0x8a: {  	[sflag:s9] =	ssyncset.done $0x0  }
0x8b: {  	[sflag:s9] =	ssyncadd.s32 $0xFFFFD800  }
0x8c: {  	[spmem:s2] =	stream.indirect.scatter.add.f32 [tilespmem:s25], [sflag:$0x6], $0x80, s29, s30, $0xb8;
	[tilespmem:$0x1E180] =	vst v63  }
0x8d: {  	_ =	swait.ge [sflag:s26], $0x2800  }
0x8e: {  	s19 =	sshrl.u32 s15, $0x3;
	[sflag:s26] =	ssyncset.done $0x0  }
0x8f: {  	s19 =	sadd.s32 s1, s19;
	s18 =	sshra.s32 s18, $0x2;
	[sflag:s26] =	ssyncadd.s32 $0xFFFFD800  }
0x90: {  	[tilespmem:s29], [sflag:$0x2] =	stream.linear.gather [hbm4b:s19+s4], $0x50, $0x38;
	[tilespmem:$0x1E180] =	vst v63  }
0x91: {  	s19 =	sadd.s32 $0xF0, s18  }
0x92: {  	[tilespmem:s25], [sflag:$0x3] =	stream.indirect.gather [hbm4b:s5+s30], $0x80, s19, s30, $0xb8;
	[tilespmem:$0x1E180] =	vst v63  }
0x93: {  	_ =	swait.ge [sflag:s8], $0x50  }
0x94: {  	[sflag:s8] =	ssyncset.done $0x0  }
0x95: {  	[sflag:s8] =	ssyncadd.s32 $0xFFFFFFB0  }
0x96: {  	_ =	swait.ge [sflag:s10], $0x2800  }
0x97: {  	[sflag:s10] =	ssyncset.done $0x0  }
0x98: {  	[sflag:s10] =	ssyncadd.s32 $0xFFFFD800  }
0x99: {  	[spmem:s2] =	stream.indirect.scatter.add.f32 [tilespmem:s0], [sflag:$0x6], $0x80, s31, s30, $0xb8;
	[tilespmem:$0x1E180] =	vst v63  }
0x9a: {  	_ =	swait.ge [sflag:s26], $0x2800  }
0x9b: {  	[sflag:s26] =	ssyncset.done $0x0  }
0x9c: {  	[sflag:s26] =	ssyncadd.s32 $0xFFFFD800  }
0x9d: {  	[tilespmem:s31], [sflag:$0x2] =	stream.linear.gather [hbm4b:s17+s4], $0x50, $0x38;
	[tilespmem:$0x1E180] =	vst v63  }
0x9e: {  	s19 =	sadd.s32 $0x140, s18  }
0x9f: {  	[tilespmem:s0], [sflag:$0x4] =	stream.indirect.gather [hbm4b:s5+s30], $0x80, s19, s30, $0xb8;
	[tilespmem:$0x1E180] =	vst v63  }
0xa0: {  	_ =	swait.ge [sflag:s8], $0x50  }
0xa1: {  	[sflag:s8] =	ssyncset.done $0x0  }
0xa2: {  	[sflag:s8] =	ssyncadd.s32 $0xFFFFFFB0  }
0xa3: {  	_ =	swait.ge [sflag:s11], $0x2800  }
0xa4: {  	[sflag:s11] =	ssyncset.done $0x0  }
0xa5: {  	[sflag:s11] =	ssyncadd.s32 $0xFFFFD800  }
0xa6: {  	[spmem:s2] =	stream.indirect.scatter.add.f32 [tilespmem:s7], [sflag:$0x6], $0x80, s3, s30, $0xb8;
	[tilespmem:$0x1E180] =	vst v63  }
.Ltmp1:
0xa7: {  	_ =	swait.ge [sflag:s26], $0x2800;
	(pc) =	sbr.rel @p0 .LBB2_4-.Ltmp1, $4  }
0xa8: {  	[sflag:s26] =	ssyncset.done $0x0  }
0xa9: {  	s15 =	sadd.s32 $0xF0, s15;
	[sflag:s26] =	ssyncadd.s32 $0xFFFFD800  }
0xaa: {  	[tilespmem:s3], [sflag:$0x2] =	stream.linear.gather [hbm4b:s16+s4], $0x50, $0x38;
	[tilespmem:$0x1E180] =	vst v63  }
0xab: {  	s18 =	sadd.s32 $0x190, s18;
	s17 =	sadd.s32 $0x1E, s17;
	s16 =	sadd.s32 $0x1E, s16  }
0xac: {  	[tilespmem:s7], [sflag:$0x5] =	stream.indirect.gather [hbm4b:s5+s30], $0x80, s18, s30, $0xb8;
	[tilespmem:$0x1E180] =	vst v63  }
0xad: {  	_ =	swait.ge [sflag:s8], $0x50  }
0xae: {  	[sflag:s8] =	ssyncset.done $0x0  }
0xaf: {  	[sflag:s8] =	ssyncadd.s32 $0xFFFFFFB0  }
0xb0: {  	_ =	swait.ge [sflag:s9], $0x2800  }
0xb1: {  	[sflag:s9] =	ssyncset.done $0x0  }
0xb2: {  	[sflag:s9] =	ssyncadd.s32 $0xFFFFD800  }
0xb3: {  	[spmem:s2] =	stream.indirect.scatter.add.f32 [tilespmem:s25], [sflag:$0x6], $0x80, s29, s30, $0xb8;
	[tilespmem:$0x1E180] =	vst v63  }
0xb4: {  	_ =	swait.ge [sflag:s26], $0x2800  }
0xb5: {  	[sflag:s26] =	ssyncset.done $0x0  }
0xb6: {  	[sflag:s26] =	ssyncadd.s32 $0xFFFFD800  }
0xb7: {  	[tilespmem:s29], [sflag:$0x2] =	stream.linear.gather [hbm4b:s20+s4], $0x50, $0x38;
	[tilespmem:$0x1E180] =	vst v63  }
0xb8: {  	s14 =	simm.s32 $0x2670  }
0xb9: {  	[tilespmem:s25], [sflag:$0x3] =	stream.indirect.gather [hbm4b:s5+s30], $0x80, s14, s30, $0xb8;
	[tilespmem:$0x1E180] =	vst v63  }
0xba: {  	_ =	swait.ge [sflag:s8], $0x50  }
0xbb: {  	[sflag:s8] =	ssyncset.done $0x0  }
0xbc: {  	[sflag:s8] =	ssyncadd.s32 $0xFFFFFFB0  }
0xbd: {  	_ =	swait.ge [sflag:s10], $0x2800  }
0xbe: {  	[sflag:s10] =	ssyncset.done $0x0  }
0xbf: {  	[sflag:s10] =	ssyncadd.s32 $0xFFFFD800  }
0xc0: {  	[spmem:s2] =	stream.indirect.scatter.add.f32 [tilespmem:s0], [sflag:$0x6], $0x80, s31, s30, $0xb8;
	[tilespmem:$0x1E180] =	vst v63  }
0xc1: {  	_ =	swait.ge [sflag:s26], $0x2800  }
0xc2: {  	[sflag:s26] =	ssyncset.done $0x0  }
0xc3: {  	[sflag:s26] =	ssyncadd.s32 $0xFFFFD800  }
0xc4: {  	[tilespmem:s31], [sflag:$0x2] =	stream.linear.gather [hbm4b:s21+s4], $0x50, $0x38;
	[tilespmem:$0x1E180] =	vst v63  }
0xc5: {  	s17 =	simm.s32 $0x26C0  }
0xc6: {  	[tilespmem:s0], [sflag:$0x4] =	stream.indirect.gather [hbm4b:s5+s30], $0x80, s17, s30, $0xb8;
	[tilespmem:$0x1E180] =	vst v63  }
0xc7: {  	_ =	swait.ge [sflag:s8], $0x50  }
0xc8: {  	[sflag:s8] =	ssyncset.done $0x0  }
0xc9: {  	[sflag:s8] =	ssyncadd.s32 $0xFFFFFFB0  }
0xca: {  	_ =	swait.ge [sflag:s11], $0x2800  }
0xcb: {  	[sflag:s11] =	ssyncset.done $0x0  }
0xcc: {  	[sflag:s11] =	ssyncadd.s32 $0xFFFFD800  }
0xcd: {  	[spmem:s2] =	stream.indirect.scatter.add.f32 [tilespmem:s7], [sflag:$0x6], $0x80, s3, s30, $0xb8;
	[tilespmem:$0x1E180] =	vst v63  }
0xce: {  	_ =	swait.ge [sflag:s26], $0x2800  }
0xcf: {  	[sflag:s26] =	ssyncset.done $0x0  }
0xd0: {  	[sflag:s26] =	ssyncadd.s32 $0xFFFFD800  }
0xd1: {  	_ =	swait.ge [sflag:s8], $0x50  }
0xd2: {  	[sflag:s8] =	ssyncset.done $0x0  }
0xd3: {  	[sflag:s8] =	ssyncadd.s32 $0xFFFFFFB0  }
0xd4: {  	_ =	swait.ge [sflag:s9], $0x2800  }
0xd5: {  	[sflag:s9] =	ssyncset.done $0x0  }
0xd6: {  	[sflag:s9] =	ssyncadd.s32 $0xFFFFD800  }
0xd7: {  	[spmem:s2] =	stream.indirect.scatter.add.f32 [tilespmem:s25], [sflag:$0x6], $0x80, s29, s30, $0xb8;
	[tilespmem:$0x1E180] =	vst v63  }
0xd8: {  	_ =	swait.ge [sflag:s26], $0x2800  }
0xd9: {  	[sflag:s26] =	ssyncset.done $0x0  }
0xda: {  	[sflag:s26] =	ssyncadd.s32 $0xFFFFD800  }
0xdb: {  	_ =	swait.ge [sflag:s8], $0x50  }
0xdc: {  	[sflag:s8] =	ssyncset.done $0x0  }
0xdd: {  	[sflag:s8] =	ssyncadd.s32 $0xFFFFFFB0  }
0xde: {  	_ =	swait.ge [sflag:s10], $0x2800  }
0xdf: {  	[sflag:s10] =	ssyncset.done $0x0  }
0xe0: {  	[sflag:s10] =	ssyncadd.s32 $0xFFFFD800  }
0xe1: {  	[spmem:s2] =	stream.indirect.scatter.add.f32 [tilespmem:s0], [sflag:$0x6], $0x80, s31, s30, $0xb8;
	[tilespmem:$0x1E180] =	vst v63  }
0xe2: {  	_ =	swait.ge [sflag:s26], $0x2800  }
0xe3: {  	[sflag:s26] =	ssyncset.done $0x0  }
0xe4: {  	s18 =	stileid.u32;
	[sflag:s26] =	ssyncadd.s32 $0xFFFFD800  }
0xe5: {  	s14 =	sshll.u32 s18, $0x6;
	[bflag:$0x0] =	sbarrier.arrive $0xFFFF  }
0xe6: {  	s15 =	sshrl.u32 s6, $0x3;
	s14 =	sor.u32 $0x1C06, s14;
	s16 =	rddreg [dreg:$0xf]  }
0xe7: {  	[hbm:s16], [sflag:s14] =	dma.local [spmem:s15], $0x2800  }
0xe8: {  	_ =	swait.ge [sflag:s26], $0x2800  }
0xe9: {  	s12 =	sadd.s32 $0x1, s12;
	s19 =	rddreg [dreg:$0x10]  }
0xea: {  	p0 =	sne.s32 s12, s19  }
.Ltmp2:
0xeb: {  	_ = 	snop;
	(pc) =	sbr.rel @p0 .LBB2_1-.Ltmp2, $3  }
0xec: {  	_ =	sdelay $0x1  }
0xed: {  	[sflag:s26] =	ssyncset.done $0x0  }
0xee: {  	[sflag:s26] =	ssyncadd.s32 $0xFFFFD800  }
0xef: {  	_ =	sfence.sel $0x180000  }
0xf0: {  	[bflag:$0x0] =	sbarrier.arrive $0xFFFF  }
0xf1: {  	_ =	strace $0x90000047  }
0xf2: {  	s0 =	stileid.u32;
	[bflag:$0x2] =	sbarrier.arrive $0xFFFF  }
0xf3: {  	p0 =	sne.s32 s0, $0x0;
	s0 =	rddreg [dreg:$0x4]  }
0xf4: {  	s0 =	sadd.s32 @!p0 $0x100000, s0  }
0xf5: {  	[sflag:s0] =	ssyncadd.tile.s32 @!p0 $0x1;
	_ =	shalt  }
.Lfunc_end2:
_tile_overlayer_lowered:
.L_overlay_start_2:
0xf6: {  	(tag) =	ssettag $0x2  }
0xf7: {  	s0 =	rddreg [dreg:$0x0];
	s2 =	stileid.u32  }
0xf8: {  	s1 =	rddreg [dreg:$0x1];
	p0 =	sne.s32 s2, $0x0  }
0xf9: {  	s3 =	rddreg [dreg:$0x2];
	[bflag:$0x3] =	sbarrier.arrive $0xFFFF;
	s2 =	simm.s32 @!p0 $0x1C06  }
0xfa: {  	[timem:s3], [sflag:s2] =	dma.local @!p0 [hbm:s0], s1  }
0xfb: {  	s0 =	simm.s32 @!p0 $0x6  }
0xfc: {  	_ =	swait.ge @!p0 [sflag:s0], s1  }
0xfd: {  	s1 =	ssub.s32 @!p0 $0x0, s1;
	[sflag:s0] =	ssyncset.done @!p0 $0x0  }
0xfe: {  	[sflag:s0] =	ssyncadd.s32 @!p0 s1  }
0xff: {  	[bflag:$0x3] =	sbarrier.arrive $0xFFFF  }
0x100: {  	_ =	shalt  }

</sc_bundles>
